<compile_context>
chip_gen: v7x
topology: tpu7x:2x2x1
jax: 0.10.2.dev20260603
libtpu: 0.0.44.dev20260713+nightly
codegen_flags: <defaults>
</compile_context>

<pallas_src>
import functools

import jax
import jax.numpy as jnp
from jax import lax
from jax.experimental import pallas as pl
from jax.experimental.pallas import tpu as pltpu
from jax.experimental.pallas import tpu_sc as plsc

D = 16
NC, NS = 2, 16
NW = NC * NS
TPW = 128 // NW
NJ = 200
STEPS = NJ * TPW


def _make_gather():
    mesh = plsc.VectorSubcoreMesh(core_axis_name="c", subcore_axis_name="s")

    @functools.partial(
        pl.kernel,
        mesh=mesh,
        out_type=jax.ShapeDtypeStruct((NJ, 2, 128, 8, 128), jnp.float32),
        scratch_types=[
            pltpu.VMEM((NJ // 8, TPW, 8, 128), jnp.int32),
            pltpu.VMEM((128, D), jnp.float32),
            pltpu.VMEM((128, D), jnp.float32),
            pltpu.VMEM((128, D), jnp.float32),
            pltpu.VMEM((128, D), jnp.float32),
            pltpu.VMEM((2, 8, 129), jnp.float32),
            pltpu.VMEM((2, 8, 129), jnp.float32),
            pltpu.SemaphoreType.DMA,
            pltpu.SemaphoreType.DMA,
            pltpu.SemaphoreType.DMA,
            pltpu.SemaphoreType.DMA,
            pltpu.SemaphoreType.DMA,
            pltpu.SemaphoreType.DMA,
        ],
        compiler_params=pltpu.CompilerParams(
            use_tc_tiling_on_sc=False, needs_layout_passes=False),
    )
    def k(cb_hbm, idx_hbm, out_hbm, idx_v, rows0, rows1, rows2, rows3,
          tr0, tr1, sg0, sg1, sg2, sg3, so0, so1):
        rows = (rows0, rows1, rows2, rows3)
        trs = (tr0, tr1)
        sgs = (sg0, sg1, sg2, sg3)
        sos = (so0, so1)
        wid = lax.axis_index("s") * NC + lax.axis_index("c")
        t0 = wid * TPW

        def idx_slice(step):
            jl = step % NJ
            tl = step // NJ
            return idx_v.at[jl // 8, tl, jl % 8]

        pltpu.sync_copy(idx_hbm.at[:, pl.ds(t0, TPW)], idx_v)
        pltpu.async_copy(cb_hbm.at[idx_slice(0)], rows0, sg0)
        pltpu.async_copy(cb_hbm.at[idx_slice(1)], rows1, sg1)
        pltpu.async_copy(cb_hbm.at[idx_slice(2)], rows2, sg2)
        pltpu.async_copy(cb_hbm.at[idx_slice(3)], rows3, sg3)

        lanes = lax.iota(jnp.int32, 16)

        def body(outer, carry):
            for b in range(4):
                step = outer * 4 + b
                jl = step % NJ
                tg = t0 + step // NJ
                pltpu.make_async_copy(
                    cb_hbm.at[pl.ds(0, 128)], rows[b], sgs[b]).wait()
                @pl.when(step >= 2)
                def _():
                    pltpu.make_async_copy(
                        trs[b % 2].at[:, :, pl.ds(0, 128)],
                        out_hbm.at[0, :, 0], sos[b % 2]).wait()
                rb, tb = rows[b], trs[b % 2]

                @plsc.parallel_loop(0, 128, 1, unroll=16)
                def _(i):
                    v = rb[i]
                    plsc.store_scatter(
                        tb, [lanes // 8, lanes % 8, jnp.full((16,), i, jnp.int32)], v)
                @pl.when(step + 4 < STEPS)
                def _():
                    pltpu.async_copy(
                        cb_hbm.at[idx_slice(step + 4)], rows[b], sgs[b])
                pltpu.async_copy(trs[b % 2].at[:, :, pl.ds(0, 128)],
                                 out_hbm.at[jl, :, tg], sos[b % 2])
            return carry

        lax.fori_loop(0, STEPS // 4, body, 0)
        pltpu.make_async_copy(
            tr0.at[:, :, pl.ds(0, 128)], out_hbm.at[0, :, 0], so0).wait()
        pltpu.make_async_copy(
            tr1.at[:, :, pl.ds(0, 128)], out_hbm.at[0, :, 0], so1).wait()

    return k


def kernel(data, codebook, indices):
    del data
    idx4 = (indices.astype(jnp.int32).T
            .reshape(NJ // 8, 8, 128, 128).transpose(0, 2, 1, 3))
    a = _make_gather()(codebook, idx4)
    return a.transpose(2, 4, 0, 1, 3).reshape(16384, NJ, D)

# --- scband reference (transcript-rebuilt; emitter-appended) ---
"""Pipeline reference for scband-combine-transform-79637283602902 (READ-ONLY COPY).

The authoritative reference and input builder live on the scoring server;
editing this copy changes nothing except your own understanding.
"""

import jax, jax.numpy as jnp
import numpy as np


def setup_inputs(seed: int = 0) -> dict:
    key = jax.random.key(seed)
    k1, k2, k3 = jax.random.split(key, 3)
    data = jax.random.normal(k1, (16384, 16), dtype=jnp.float32)
    codebook = jax.random.normal(k2, (1000000, 16), dtype=jnp.float32)
    indices = jax.random.randint(k3, (16384, 200), 0, 1000000, dtype=jnp.int64 if jax.config.jax_enable_x64 else jnp.int32)
    return {"data": data, "codebook": codebook, "indices": indices}


def reference(data, codebook, indices):
    # CombineTransform(method='codebook_lookup'): data is ignored,
    # output = codebook[indices] (embedding gather).
    return jnp.take(codebook, indices, axis=0)

if __name__ == "__main__":
    import jax
    _d = setup_inputs()
    print(jax.jit(kernel)(*tuple(_d.values())))

</pallas_src>

<mosaic_0001>
#map = affine_map<(d0, d1) -> (0, 0)>
#map1 = affine_map<(d0, d1) -> (0, 0, 0, 0)>
#map2 = affine_map<(d0, d1) -> (0, 0, 0, 0, 0)>
module attributes {stable_mosaic.version = 14 : i64} {
  func.func @k(%arg0: i32, %arg1: i32, %arg2: memref<1000000x16xf32, #tpu.memory_space<hbm>>, %arg3: memref<25x128x8x128xi32, #tpu.memory_space<hbm>>, %arg4: memref<200x2x128x8x128xf32, #tpu.memory_space<hbm>>, %arg5: memref<25x4x8x128xi32, #tpu.memory_space<vmem>>, %arg6: memref<128x16xf32, #tpu.memory_space<vmem>>, %arg7: memref<128x16xf32, #tpu.memory_space<vmem>>, %arg8: memref<128x16xf32, #tpu.memory_space<vmem>>, %arg9: memref<128x16xf32, #tpu.memory_space<vmem>>, %arg10: memref<2x8x129xf32, #tpu.memory_space<vmem>>, %arg11: memref<2x8x129xf32, #tpu.memory_space<vmem>>, %arg12: memref<!tpu.dma_semaphore, #tpu.memory_space<semaphore_mem>>, %arg13: memref<!tpu.dma_semaphore, #tpu.memory_space<semaphore_mem>>, %arg14: memref<!tpu.dma_semaphore, #tpu.memory_space<semaphore_mem>>, %arg15: memref<!tpu.dma_semaphore, #tpu.memory_space<semaphore_mem>>, %arg16: memref<!tpu.dma_semaphore, #tpu.memory_space<semaphore_mem>>, %arg17: memref<!tpu.dma_semaphore, #tpu.memory_space<semaphore_mem>>) attributes {dimension_semantics = [#tpu.dimension_semantics<core_parallel>, #tpu.dimension_semantics<subcore_parallel>], iteration_bounds = array<i64: 2, 16>, scalar_prefetch = 0 : i64, scratch_operands = 13 : i64, tpu.core_type = #tpu.core_type<sc_vector_subcore>, window_params = [{transform_indices = #map}, {transform_indices = #map1}, {transform_indices = #map2}]} {
    %mul3A = arith.constant 2 : i32
    %mul3A_0 = arith.muli %arg1, %mul3A : i32
    %add3A = arith.addi %mul3A_0, %arg0 : i32
    %mul3A_1 = arith.constant 4 : i32
    %mul3A_2 = arith.muli %add3A, %mul3A_1 : i32
    "tpu.region"() ({
      %run_scoped3A = tpu.sem_alloc : memref<!tpu.dma_semaphore, #tpu.memory_space<semaphore_mem>>
      %dma_start3A_82 = arith.constant 0 : i32
      %dma_start3A_83 = arith.constant 0 : i32
      %dma_start3A_84 = arith.constant 0 : i32
      %dma_start3A_85 = tpu.memref_slice %arg3[%dma_start3A_82, %mul3A_2, %dma_start3A_83, %dma_start3A_84] : memref<25x128x8x128xi32, #tpu.memory_space<hbm>> -> memref<25x4x8x128xi32, #tpu.memory_space<hbm>>
      %dma_start3A_86 = arith.constant 0 : i32
      %dma_start3A_87 = arith.constant 0 : i32
      %dma_start3A_88 = arith.constant 0 : i32
      %dma_start3A_89 = tpu.memref_slice %arg3[%dma_start3A_86, %mul3A_2, %dma_start3A_87, %dma_start3A_88] : memref<25x128x8x128xi32, #tpu.memory_space<hbm>> -> memref<25x4x8x128xi32, #tpu.memory_space<hbm>>
      tpu.enqueue_dma source(%dma_start3A_89 : memref<25x4x8x128xi32, #tpu.memory_space<hbm>>) target(%arg5 : memref<25x4x8x128xi32, #tpu.memory_space<vmem>>) target_semaphore(%run_scoped3A : memref<!tpu.dma_semaphore, #tpu.memory_space<semaphore_mem>>)
      %dma_wait3A_90 = arith.constant 0 : i32
      %dma_wait3A_91 = arith.constant 0 : i32
      %dma_wait3A_92 = arith.constant 0 : i32
      %dma_wait3A_93 = tpu.memref_slice %arg3[%dma_wait3A_90, %mul3A_2, %dma_wait3A_91, %dma_wait3A_92] : memref<25x128x8x128xi32, #tpu.memory_space<hbm>> -> memref<25x4x8x128xi32, #tpu.memory_space<hbm>>
      %dma_wait3A_94 = arith.constant 0 : i32
      %dma_wait3A_95 = arith.constant 0 : i32
      %dma_wait3A_96 = arith.constant 0 : i32
      %dma_wait3A_97 = tpu.memref_slice %arg3[%dma_wait3A_94, %mul3A_2, %dma_wait3A_95, %dma_wait3A_96] : memref<25x128x8x128xi32, #tpu.memory_space<hbm>> -> memref<25x4x8x128xi32, #tpu.memory_space<hbm>>
      tpu.wait_dma2 semaphore(%run_scoped3A : memref<!tpu.dma_semaphore, #tpu.memory_space<semaphore_mem>>) src(%dma_wait3A_97 : memref<25x4x8x128xi32, #tpu.memory_space<hbm>>) dst(%arg5 : memref<25x4x8x128xi32, #tpu.memory_space<vmem>>)
      tpu.yield
    }) : () -> ()
    %dma_start3A = arith.constant 0 : i32
    %dma_start3A_3 = arith.constant 0 : i32
    %dma_start3A_4 = arith.constant 0 : i32
    %dma_start3A_5 = arith.constant 0 : i32
    %dma_start3A_6 = tpu.memref_slice %arg5[%dma_start3A, %dma_start3A_3, %dma_start3A_4, %dma_start3A_5] : memref<25x4x8x128xi32, #tpu.memory_space<vmem>> -> memref<1x1x1x128xi32, #tpu.memory_space<vmem>>
    %dma_start3A_7 = tpu.memref_squeeze %dma_start3A_6 : memref<1x1x1x128xi32, #tpu.memory_space<vmem>> -> memref<128xi32, #tpu.memory_space<vmem>>
    %dma_start3A_8 = arith.constant 0 : i32
    %dma_start3A_9 = arith.constant 0 : i32
    %dma_start3A_10 = tpu.memref_slice %arg2[%dma_start3A_8, %dma_start3A_9] : memref<1000000x16xf32, #tpu.memory_space<hbm>> -> memref<1000000x16xf32, #tpu.memory_space<hbm>>
    tpu.enqueue_indirect_dma source(%dma_start3A_10 : memref<1000000x16xf32, #tpu.memory_space<hbm>>) target(%arg6 : memref<128x16xf32, #tpu.memory_space<vmem>>) offsets(%dma_start3A_7 : memref<128xi32, #tpu.memory_space<vmem>>) semaphore(%arg12 : memref<!tpu.dma_semaphore, #tpu.memory_space<semaphore_mem>>)
    %dma_start3A_11 = arith.constant 0 : i32
    %dma_start3A_12 = arith.constant 0 : i32
    %dma_start3A_13 = arith.constant 1 : i32
    %dma_start3A_14 = arith.constant 0 : i32
    %dma_start3A_15 = tpu.memref_slice %arg5[%dma_start3A_11, %dma_start3A_12, %dma_start3A_13, %dma_start3A_14] : memref<25x4x8x128xi32, #tpu.memory_space<vmem>> -> memref<1x1x1x128xi32, #tpu.memory_space<vmem>>
    %dma_start3A_16 = tpu.memref_squeeze %dma_start3A_15 : memref<1x1x1x128xi32, #tpu.memory_space<vmem>> -> memref<128xi32, #tpu.memory_space<vmem>>
    %dma_start3A_17 = arith.constant 0 : i32
    %dma_start3A_18 = arith.constant 0 : i32
    %dma_start3A_19 = tpu.memref_slice %arg2[%dma_start3A_17, %dma_start3A_18] : memref<1000000x16xf32, #tpu.memory_space<hbm>> -> memref<1000000x16xf32, #tpu.memory_space<hbm>>
    tpu.enqueue_indirect_dma source(%dma_start3A_19 : memref<1000000x16xf32, #tpu.memory_space<hbm>>) target(%arg7 : memref<128x16xf32, #tpu.memory_space<vmem>>) offsets(%dma_start3A_16 : memref<128xi32, #tpu.memory_space<vmem>>) semaphore(%arg13 : memref<!tpu.dma_semaphore, #tpu.memory_space<semaphore_mem>>)
    %dma_start3A_20 = arith.constant 0 : i32
    %dma_start3A_21 = arith.constant 0 : i32
    %dma_start3A_22 = arith.constant 2 : i32
    %dma_start3A_23 = arith.constant 0 : i32
    %dma_start3A_24 = tpu.memref_slice %arg5[%dma_start3A_20, %dma_start3A_21, %dma_start3A_22, %dma_start3A_23] : memref<25x4x8x128xi32, #tpu.memory_space<vmem>> -> memref<1x1x1x128xi32, #tpu.memory_space<vmem>>
    %dma_start3A_25 = tpu.memref_squeeze %dma_start3A_24 : memref<1x1x1x128xi32, #tpu.memory_space<vmem>> -> memref<128xi32, #tpu.memory_space<vmem>>
    %dma_start3A_26 = arith.constant 0 : i32
    %dma_start3A_27 = arith.constant 0 : i32
    %dma_start3A_28 = tpu.memref_slice %arg2[%dma_start3A_26, %dma_start3A_27] : memref<1000000x16xf32, #tpu.memory_space<hbm>> -> memref<1000000x16xf32, #tpu.memory_space<hbm>>
    tpu.enqueue_indirect_dma source(%dma_start3A_28 : memref<1000000x16xf32, #tpu.memory_space<hbm>>) target(%arg8 : memref<128x16xf32, #tpu.memory_space<vmem>>) offsets(%dma_start3A_25 : memref<128xi32, #tpu.memory_space<vmem>>) semaphore(%arg14 : memref<!tpu.dma_semaphore, #tpu.memory_space<semaphore_mem>>)
    %dma_start3A_29 = arith.constant 0 : i32
    %dma_start3A_30 = arith.constant 0 : i32
    %dma_start3A_31 = arith.constant 3 : i32
    %dma_start3A_32 = arith.constant 0 : i32
    %dma_start3A_33 = tpu.memref_slice %arg5[%dma_start3A_29, %dma_start3A_30, %dma_start3A_31, %dma_start3A_32] : memref<25x4x8x128xi32, #tpu.memory_space<vmem>> -> memref<1x1x1x128xi32, #tpu.memory_space<vmem>>
    %dma_start3A_34 = tpu.memref_squeeze %dma_start3A_33 : memref<1x1x1x128xi32, #tpu.memory_space<vmem>> -> memref<128xi32, #tpu.memory_space<vmem>>
    %dma_start3A_35 = arith.constant 0 : i32
    %dma_start3A_36 = arith.constant 0 : i32
    %dma_start3A_37 = tpu.memref_slice %arg2[%dma_start3A_35, %dma_start3A_36] : memref<1000000x16xf32, #tpu.memory_space<hbm>> -> memref<1000000x16xf32, #tpu.memory_space<hbm>>
    tpu.enqueue_indirect_dma source(%dma_start3A_37 : memref<1000000x16xf32, #tpu.memory_space<hbm>>) target(%arg9 : memref<128x16xf32, #tpu.memory_space<vmem>>) offsets(%dma_start3A_34 : memref<128xi32, #tpu.memory_space<vmem>>) semaphore(%arg15 : memref<!tpu.dma_semaphore, #tpu.memory_space<semaphore_mem>>)
    %iota3A = tpu.iota {dimensions = array<i32: 0>} : vector<16xi32>
    %scan3A = arith.constant 0 : i32
    %scan3A_38 = arith.constant 0 : i32
    %scan3A_39 = arith.constant 200 : i32
    %scan3A_40 = arith.addi %scan3A_38, %scan3A_39 : i32
    %scan3A_41 = arith.constant 1 : i32
    scf.for %scan3A_82 = %scan3A_38 to %scan3A_40 step %scan3A_41  : i32 {
      %mul3A_83 = arith.constant 4 : i32
      %mul3A_84 = arith.muli %scan3A_82, %mul3A_83 : i32
      %add3A_85 = arith.constant 0 : i32
      %add3A_86 = arith.addi %mul3A_84, %add3A_85 : i32
      %jit3A = arith.constant 200 : i32
      %eq3A = arith.constant 0 : i32
      %eq3A_87 = arith.cmpi eq, %jit3A, %eq3A : i32
      %jit3A_88 = arith.constant 1 : i32
      %select_n3A = arith.select %eq3A_87, %jit3A_88, %jit3A : i32
      %rem3A = arith.remsi %add3A_86, %select_n3A : i32
      %ne3A = arith.constant 0 : i32
      %ne3A_89 = arith.cmpi ne, %rem3A, %ne3A : i32
      %lt3A = arith.constant 0 : i32
      %lt3A_90 = arith.cmpi slt, %rem3A, %lt3A : i32
      %lt3A_91 = arith.constant 0 : i32
      %lt3A_92 = arith.cmpi slt, %select_n3A, %lt3A_91 : i32
      %ne3A_93 = arith.xori %lt3A_90, %lt3A_92 : i1
      %and3A = arith.andi %ne3A_93, %ne3A_89 : i1
      %add3A_94 = arith.addi %rem3A, %select_n3A : i32
      %select_n3A_95 = arith.select %and3A, %add3A_94, %rem3A : i32
      %jit3A_96 = arith.constant 200 : i32
      %div3A = arith.divsi %add3A_86, %jit3A_96 : i32
      %sign3A = arith.constant 0 : i32
      %sign3A_97 = arith.cmpi sgt, %add3A_86, %sign3A : i32
      %sign3A_98 = arith.extui %sign3A_97 : i1 to i32
      %sign3A_99 = arith.constant 0 : i32
      %sign3A_100 = arith.cmpi slt, %add3A_86, %sign3A_99 : i32
      %sign3A_101 = arith.extui %sign3A_100 : i1 to i32
      %sign3A_102 = arith.subi %sign3A_98, %sign3A_101 : i32
      %sign3A_103 = arith.constant 0 : i32
      %sign3A_104 = arith.cmpi sgt, %jit3A_96, %sign3A_103 : i32
      %sign3A_105 = arith.extui %sign3A_104 : i1 to i32
      %sign3A_106 = arith.constant 0 : i32
      %sign3A_107 = arith.cmpi slt, %jit3A_96, %sign3A_106 : i32
      %sign3A_108 = arith.extui %sign3A_107 : i1 to i32
      %sign3A_109 = arith.subi %sign3A_105, %sign3A_108 : i32
      %ne3A_110 = arith.cmpi ne, %sign3A_102, %sign3A_109 : i32
      %rem3A_111 = arith.remsi %add3A_86, %jit3A_96 : i32
      %ne3A_112 = arith.constant 0 : i32
      %ne3A_113 = arith.cmpi ne, %rem3A_111, %ne3A_112 : i32
      %and3A_114 = arith.andi %ne3A_110, %ne3A_113 : i1
      %sub3A = arith.constant 1 : i32
      %sub3A_115 = arith.subi %div3A, %sub3A : i32
      %select_n3A_116 = arith.select %and3A_114, %sub3A_115, %div3A : i32
      %add3A_117 = arith.addi %mul3A_2, %select_n3A_116 : i32
      %dma_wait3A_118 = arith.constant 0 : i32
      %dma_wait3A_119 = arith.constant 0 : i32
      %dma_wait3A_120 = tpu.memref_slice %arg2[%dma_wait3A_118, %dma_wait3A_119] : memref<1000000x16xf32, #tpu.memory_space<hbm>> -> memref<128x16xf32, #tpu.memory_space<hbm>>
      %dma_wait3A_121 = arith.constant 0 : i32
      %dma_wait3A_122 = arith.constant 0 : i32
      %dma_wait3A_123 = tpu.memref_slice %arg2[%dma_wait3A_121, %dma_wait3A_122] : memref<1000000x16xf32, #tpu.memory_space<hbm>> -> memref<128x16xf32, #tpu.memory_space<hbm>>
      tpu.wait_dma2 semaphore(%arg12 : memref<!tpu.dma_semaphore, #tpu.memory_space<semaphore_mem>>) src(%dma_wait3A_123 : memref<128x16xf32, #tpu.memory_space<hbm>>) dst(%arg6 : memref<128x16xf32, #tpu.memory_space<vmem>>)
      %ge3A = arith.constant 2 : i32
      %ge3A_124 = arith.cmpi sge, %add3A_86, %ge3A : i32
      %convert_element_type3A = arith.extui %ge3A_124 : i1 to i32
      %cond3A = arith.constant 0 : i32
      %cond3A_125 = arith.cmpi ne, %convert_element_type3A, %cond3A : i32
      scf.if %cond3A_125 {
        %dma_wait3A_405 = arith.constant 0 : i32
        %dma_wait3A_406 = arith.constant 0 : i32
        %dma_wait3A_407 = arith.constant 0 : i32
        %dma_wait3A_408 = arith.constant 0 : i32
        %dma_wait3A_409 = arith.constant 0 : i32
        %dma_wait3A_410 = tpu.memref_slice %arg10[%dma_wait3A_407, %dma_wait3A_408, %dma_wait3A_409] : memref<2x8x129xf32, #tpu.memory_space<vmem>> -> memref<2x8x128xf32, #tpu.memory_space<vmem>>
        %dma_wait3A_411 = arith.constant 0 : i32
        %dma_wait3A_412 = arith.constant 0 : i32
        %dma_wait3A_413 = arith.constant 0 : i32
        %dma_wait3A_414 = tpu.memref_slice %arg4[%dma_wait3A_405, %dma_wait3A_411, %dma_wait3A_406, %dma_wait3A_412, %dma_wait3A_413] : memref<200x2x128x8x128xf32, #tpu.memory_space<hbm>> -> memref<1x2x1x8x128xf32, #tpu.memory_space<hbm>>
        %dma_wait3A_415 = tpu.memref_squeeze %dma_wait3A_414 : memref<1x2x1x8x128xf32, #tpu.memory_space<hbm>> -> memref<2x8x128xf32, #tpu.memory_space<hbm>>
        %dma_wait3A_416 = arith.constant 0 : i32
        %dma_wait3A_417 = arith.constant 0 : i32
        %dma_wait3A_418 = arith.constant 0 : i32
        %dma_wait3A_419 = tpu.memref_slice %arg4[%dma_wait3A_405, %dma_wait3A_416, %dma_wait3A_406, %dma_wait3A_417, %dma_wait3A_418] : memref<200x2x128x8x128xf32, #tpu.memory_space<hbm>> -> memref<1x2x1x8x128xf32, #tpu.memory_space<hbm>>
        %dma_wait3A_420 = tpu.memref_squeeze %dma_wait3A_419 : memref<1x2x1x8x128xf32, #tpu.memory_space<hbm>> -> memref<2x8x128xf32, #tpu.memory_space<hbm>>
        %dma_wait3A_421 = arith.constant 0 : i32
        %dma_wait3A_422 = arith.constant 0 : i32
        %dma_wait3A_423 = arith.constant 0 : i32
        %dma_wait3A_424 = tpu.memref_slice %arg10[%dma_wait3A_421, %dma_wait3A_422, %dma_wait3A_423] : memref<2x8x129xf32, #tpu.memory_space<vmem>> -> memref<2x8x128xf32, #tpu.memory_space<vmem>>
        tpu.wait_dma2 semaphore(%arg16 : memref<!tpu.dma_semaphore, #tpu.memory_space<semaphore_mem>>) src(%dma_wait3A_424 : memref<2x8x128xf32, #tpu.memory_space<vmem>>) dst(%dma_wait3A_420 : memref<2x8x128xf32, #tpu.memory_space<hbm>>)
      } else {
      }
      %parallel_loop3A = arith.constant 0 : i32
      %parallel_loop3A_126 = arith.constant 128 : i32
      %parallel_loop3A_127 = arith.constant 1 : i32
      scf.for %parallel_loop3A_405 = %parallel_loop3A to %parallel_loop3A_126 step %parallel_loop3A_127  : i32 {
        %parallel_loop3A_406 = arith.index_cast %parallel_loop3A_405 : i32 to index
        %parallel_loop3A_407 = arith.constant 0 : index
        %parallel_loop3A_408 = tpu.vector_load %arg6[%parallel_loop3A_406, %parallel_loop3A_407] {strides = array<i32>} : memref<128x16xf32, #tpu.memory_space<vmem>>, vector<16xf32>,
        %parallel_loop3A_409 = arith.constant 8 : i32
        %parallel_loop3A_410 = vector.broadcast %parallel_loop3A_409 : i32 to vector<16xi32>
        %parallel_loop3A_411 = arith.divsi %iota3A, %parallel_loop3A_410 : vector<16xi32>
        %parallel_loop3A_412 = arith.constant 0 : i32
        %parallel_loop3A_413 = vector.broadcast %parallel_loop3A_412 : i32 to vector<16xi32>
        %parallel_loop3A_414 = arith.cmpi sgt, %iota3A, %parallel_loop3A_413 : vector<16xi32>
        %parallel_loop3A_415 = arith.extui %parallel_loop3A_414 : vector<16xi1> to vector<16xi32>
        %parallel_loop3A_416 = arith.constant 0 : i32
        %parallel_loop3A_417 = vector.broadcast %parallel_loop3A_416 : i32 to vector<16xi32>
        %parallel_loop3A_418 = arith.cmpi slt, %iota3A, %parallel_loop3A_417 : vector<16xi32>
        %parallel_loop3A_419 = arith.extui %parallel_loop3A_418 : vector<16xi1> to vector<16xi32>
        %parallel_loop3A_420 = arith.subi %parallel_loop3A_415, %parallel_loop3A_419 : vector<16xi32>
        %parallel_loop3A_421 = arith.constant 0 : i32
        %parallel_loop3A_422 = arith.cmpi sgt, %parallel_loop3A_409, %parallel_loop3A_421 : i32
        %parallel_loop3A_423 = arith.extui %parallel_loop3A_422 : i1 to i32
        %parallel_loop3A_424 = arith.constant 0 : i32
        %parallel_loop3A_425 = arith.cmpi slt, %parallel_loop3A_409, %parallel_loop3A_424 : i32
        %parallel_loop3A_426 = arith.extui %parallel_loop3A_425 : i1 to i32
        %parallel_loop3A_427 = arith.subi %parallel_loop3A_423, %parallel_loop3A_426 : i32
        %parallel_loop3A_428 = vector.broadcast %parallel_loop3A_427 : i32 to vector<16xi32>
        %parallel_loop3A_429 = arith.cmpi ne, %parallel_loop3A_420, %parallel_loop3A_428 : vector<16xi32>
        %parallel_loop3A_430 = vector.broadcast %parallel_loop3A_409 : i32 to vector<16xi32>
        %parallel_loop3A_431 = arith.remsi %iota3A, %parallel_loop3A_430 : vector<16xi32>
        %parallel_loop3A_432 = arith.constant 0 : i32
        %parallel_loop3A_433 = vector.broadcast %parallel_loop3A_432 : i32 to vector<16xi32>
        %parallel_loop3A_434 = arith.cmpi ne, %parallel_loop3A_431, %parallel_loop3A_433 : vector<16xi32>
        %parallel_loop3A_435 = arith.andi %parallel_loop3A_429, %parallel_loop3A_434 : vector<16xi1>
        %parallel_loop3A_436 = arith.constant 1 : i32
        %parallel_loop3A_437 = vector.broadcast %parallel_loop3A_436 : i32 to vector<16xi32>
        %parallel_loop3A_438 = arith.subi %parallel_loop3A_411, %parallel_loop3A_437 : vector<16xi32>
        %parallel_loop3A_439 = arith.select %parallel_loop3A_435, %parallel_loop3A_438, %parallel_loop3A_411 : vector<16xi1>, vector<16xi32>
        %parallel_loop3A_440 = arith.constant 8 : i32
        %parallel_loop3A_441 = arith.constant 0 : i32
        %parallel_loop3A_442 = arith.cmpi eq, %parallel_loop3A_440, %parallel_loop3A_441 : i32
        %parallel_loop3A_443 = arith.constant 1 : i32
        %parallel_loop3A_444 = arith.select %parallel_loop3A_442, %parallel_loop3A_443, %parallel_loop3A_440 : i32
        %parallel_loop3A_445 = vector.broadcast %parallel_loop3A_444 : i32 to vector<16xi32>
        %parallel_loop3A_446 = arith.remsi %iota3A, %parallel_loop3A_445 : vector<16xi32>
        %parallel_loop3A_447 = arith.constant 0 : i32
        %parallel_loop3A_448 = vector.broadcast %parallel_loop3A_447 : i32 to vector<16xi32>
        %parallel_loop3A_449 = arith.cmpi ne, %parallel_loop3A_446, %parallel_loop3A_448 : vector<16xi32>
        %parallel_loop3A_450 = arith.constant 0 : i32
        %parallel_loop3A_451 = vector.broadcast %parallel_loop3A_450 : i32 to vector<16xi32>
        %parallel_loop3A_452 = arith.cmpi slt, %parallel_loop3A_446, %parallel_loop3A_451 : vector<16xi32>
        %parallel_loop3A_453 = arith.constant 0 : i32
        %parallel_loop3A_454 = arith.cmpi slt, %parallel_loop3A_444, %parallel_loop3A_453 : i32
        %parallel_loop3A_455 = vector.broadcast %parallel_loop3A_454 : i1 to vector<16xi1>
        %parallel_loop3A_456 = vector.broadcast %parallel_loop3A_455 : vector<16xi1> to vector<16xi1>
        %parallel_loop3A_457 = arith.xori %parallel_loop3A_452, %parallel_loop3A_456 : vector<16xi1>
        %parallel_loop3A_458 = arith.andi %parallel_loop3A_457, %parallel_loop3A_449 : vector<16xi1>
        %parallel_loop3A_459 = vector.broadcast %parallel_loop3A_444 : i32 to vector<16xi32>
        %parallel_loop3A_460 = arith.addi %parallel_loop3A_446, %parallel_loop3A_459 : vector<16xi32>
        %parallel_loop3A_461 = arith.select %parallel_loop3A_458, %parallel_loop3A_460, %parallel_loop3A_446 : vector<16xi1>, vector<16xi32>
        %parallel_loop3A_462 = vector.broadcast %parallel_loop3A_405 : i32 to vector<16xi32>
        tpu.vector_store_idx %arg10[%parallel_loop3A_439, %parallel_loop3A_461, %parallel_loop3A_462], %parallel_loop3A_408 : memref<2x8x129xf32, #tpu.memory_space<vmem>>[vector<16xi32>, vector<16xi32>, vector<16xi32>], vector<16xf32>,
      } {sc.loop_unroll_factor = 16 : i64, sc.parallel_access}
      %add3A_128 = arith.constant 4 : i32
      %add3A_129 = arith.addi %add3A_86, %add3A_128 : i32
      %lt3A_130 = arith.constant 800 : i32
      %lt3A_131 = arith.cmpi slt, %add3A_129, %lt3A_130 : i32
      %convert_element_type3A_132 = arith.extui %lt3A_131 : i1 to i32
      %cond3A_133 = arith.constant 0 : i32
      %cond3A_134 = arith.cmpi ne, %convert_element_type3A_132, %cond3A_133 : i32
      scf.if %cond3A_134 {
        %add3A_405 = arith.constant 4 : i32
        %add3A_406 = arith.addi %add3A_86, %add3A_405 : i32
        %jit3A_407 = arith.constant 200 : i32
        %eq3A_408 = arith.constant 0 : i32
        %eq3A_409 = arith.cmpi eq, %jit3A_407, %eq3A_408 : i32
        %jit3A_410 = arith.constant 1 : i32
        %select_n3A_411 = arith.select %eq3A_409, %jit3A_410, %jit3A_407 : i32
        %rem3A_412 = arith.remsi %add3A_406, %select_n3A_411 : i32
        %ne3A_413 = arith.constant 0 : i32
        %ne3A_414 = arith.cmpi ne, %rem3A_412, %ne3A_413 : i32
        %lt3A_415 = arith.constant 0 : i32
        %lt3A_416 = arith.cmpi slt, %rem3A_412, %lt3A_415 : i32
        %lt3A_417 = arith.constant 0 : i32
        %lt3A_418 = arith.cmpi slt, %select_n3A_411, %lt3A_417 : i32
        %ne3A_419 = arith.xori %lt3A_416, %lt3A_418 : i1
        %and3A_420 = arith.andi %ne3A_419, %ne3A_414 : i1
        %add3A_421 = arith.addi %rem3A_412, %select_n3A_411 : i32
        %select_n3A_422 = arith.select %and3A_420, %add3A_421, %rem3A_412 : i32
        %jit3A_423 = arith.constant 200 : i32
        %div3A_424 = arith.divsi %add3A_406, %jit3A_423 : i32
        %sign3A_425 = arith.constant 0 : i32
        %sign3A_426 = arith.cmpi sgt, %add3A_406, %sign3A_425 : i32
        %sign3A_427 = arith.extui %sign3A_426 : i1 to i32
        %sign3A_428 = arith.constant 0 : i32
        %sign3A_429 = arith.cmpi slt, %add3A_406, %sign3A_428 : i32
        %sign3A_430 = arith.extui %sign3A_429 : i1 to i32
        %sign3A_431 = arith.subi %sign3A_427, %sign3A_430 : i32
        %sign3A_432 = arith.constant 0 : i32
        %sign3A_433 = arith.cmpi sgt, %jit3A_423, %sign3A_432 : i32
        %sign3A_434 = arith.extui %sign3A_433 : i1 to i32
        %sign3A_435 = arith.constant 0 : i32
        %sign3A_436 = arith.cmpi slt, %jit3A_423, %sign3A_435 : i32
        %sign3A_437 = arith.extui %sign3A_436 : i1 to i32
        %sign3A_438 = arith.subi %sign3A_434, %sign3A_437 : i32
        %ne3A_439 = arith.cmpi ne, %sign3A_431, %sign3A_438 : i32
        %rem3A_440 = arith.remsi %add3A_406, %jit3A_423 : i32
        %ne3A_441 = arith.constant 0 : i32
        %ne3A_442 = arith.cmpi ne, %rem3A_440, %ne3A_441 : i32
        %and3A_443 = arith.andi %ne3A_439, %ne3A_442 : i1
        %sub3A_444 = arith.constant 1 : i32
        %sub3A_445 = arith.subi %div3A_424, %sub3A_444 : i32
        %select_n3A_446 = arith.select %and3A_443, %sub3A_445, %div3A_424 : i32
        %jit3A_447 = arith.constant 8 : i32
        %div3A_448 = arith.divsi %select_n3A_422, %jit3A_447 : i32
        %sign3A_449 = arith.constant 0 : i32
        %sign3A_450 = arith.cmpi sgt, %select_n3A_422, %sign3A_449 : i32
        %sign3A_451 = arith.extui %sign3A_450 : i1 to i32
        %sign3A_452 = arith.constant 0 : i32
        %sign3A_453 = arith.cmpi slt, %select_n3A_422, %sign3A_452 : i32
        %sign3A_454 = arith.extui %sign3A_453 : i1 to i32
        %sign3A_455 = arith.subi %sign3A_451, %sign3A_454 : i32
        %sign3A_456 = arith.constant 0 : i32
        %sign3A_457 = arith.cmpi sgt, %jit3A_447, %sign3A_456 : i32
        %sign3A_458 = arith.extui %sign3A_457 : i1 to i32
        %sign3A_459 = arith.constant 0 : i32
        %sign3A_460 = arith.cmpi slt, %jit3A_447, %sign3A_459 : i32
        %sign3A_461 = arith.extui %sign3A_460 : i1 to i32
        %sign3A_462 = arith.subi %sign3A_458, %sign3A_461 : i32
        %ne3A_463 = arith.cmpi ne, %sign3A_455, %sign3A_462 : i32
        %rem3A_464 = arith.remsi %select_n3A_422, %jit3A_447 : i32
        %ne3A_465 = arith.constant 0 : i32
        %ne3A_466 = arith.cmpi ne, %rem3A_464, %ne3A_465 : i32
        %and3A_467 = arith.andi %ne3A_463, %ne3A_466 : i1
        %sub3A_468 = arith.constant 1 : i32
        %sub3A_469 = arith.subi %div3A_448, %sub3A_468 : i32
        %select_n3A_470 = arith.select %and3A_467, %sub3A_469, %div3A_448 : i32
        %jit3A_471 = arith.constant 8 : i32
        %eq3A_472 = arith.constant 0 : i32
        %eq3A_473 = arith.cmpi eq, %jit3A_471, %eq3A_472 : i32
        %jit3A_474 = arith.constant 1 : i32
        %select_n3A_475 = arith.select %eq3A_473, %jit3A_474, %jit3A_471 : i32
        %rem3A_476 = arith.remsi %select_n3A_422, %select_n3A_475 : i32
        %ne3A_477 = arith.constant 0 : i32
        %ne3A_478 = arith.cmpi ne, %rem3A_476, %ne3A_477 : i32
        %lt3A_479 = arith.constant 0 : i32
        %lt3A_480 = arith.cmpi slt, %rem3A_476, %lt3A_479 : i32
        %lt3A_481 = arith.constant 0 : i32
        %lt3A_482 = arith.cmpi slt, %select_n3A_475, %lt3A_481 : i32
        %ne3A_483 = arith.xori %lt3A_480, %lt3A_482 : i1
        %and3A_484 = arith.andi %ne3A_483, %ne3A_478 : i1
        %add3A_485 = arith.addi %rem3A_476, %select_n3A_475 : i32
        %select_n3A_486 = arith.select %and3A_484, %add3A_485, %rem3A_476 : i32
        %dma_start3A_487 = arith.constant 0 : i32
        %dma_start3A_488 = tpu.memref_slice %arg5[%select_n3A_470, %select_n3A_446, %select_n3A_486, %dma_start3A_487] : memref<25x4x8x128xi32, #tpu.memory_space<vmem>> -> memref<1x1x1x128xi32, #tpu.memory_space<vmem>>
        %dma_start3A_489 = tpu.memref_squeeze %dma_start3A_488 : memref<1x1x1x128xi32, #tpu.memory_space<vmem>> -> memref<128xi32, #tpu.memory_space<vmem>>
        %dma_start3A_490 = arith.constant 0 : i32
        %dma_start3A_491 = arith.constant 0 : i32
        %dma_start3A_492 = tpu.memref_slice %arg2[%dma_start3A_490, %dma_start3A_491] : memref<1000000x16xf32, #tpu.memory_space<hbm>> -> memref<1000000x16xf32, #tpu.memory_space<hbm>>
        tpu.enqueue_indirect_dma source(%dma_start3A_492 : memref<1000000x16xf32, #tpu.memory_space<hbm>>) target(%arg6 : memref<128x16xf32, #tpu.memory_space<vmem>>) offsets(%dma_start3A_489 : memref<128xi32, #tpu.memory_space<vmem>>) semaphore(%arg12 : memref<!tpu.dma_semaphore, #tpu.memory_space<semaphore_mem>>)
      } else {
      }
      %dma_start3A_135 = arith.constant 0 : i32
      %dma_start3A_136 = arith.constant 0 : i32
      %dma_start3A_137 = arith.constant 0 : i32
      %dma_start3A_138 = tpu.memref_slice %arg10[%dma_start3A_135, %dma_start3A_136, %dma_start3A_137] : memref<2x8x129xf32, #tpu.memory_space<vmem>> -> memref<2x8x128xf32, #tpu.memory_space<vmem>>
      %dma_start3A_139 = arith.constant 0 : i32
      %dma_start3A_140 = arith.constant 0 : i32
      %dma_start3A_141 = arith.constant 0 : i32
      %dma_start3A_142 = tpu.memref_slice %arg4[%select_n3A_95, %dma_start3A_139, %add3A_117, %dma_start3A_140, %dma_start3A_141] : memref<200x2x128x8x128xf32, #tpu.memory_space<hbm>> -> memref<1x2x1x8x128xf32, #tpu.memory_space<hbm>>
      %dma_start3A_143 = tpu.memref_squeeze %dma_start3A_142 : memref<1x2x1x8x128xf32, #tpu.memory_space<hbm>> -> memref<2x8x128xf32, #tpu.memory_space<hbm>>
      %dma_start3A_144 = arith.constant 0 : i32
      %dma_start3A_145 = arith.constant 0 : i32
      %dma_start3A_146 = arith.constant 0 : i32
      %dma_start3A_147 = tpu.memref_slice %arg4[%select_n3A_95, %dma_start3A_144, %add3A_117, %dma_start3A_145, %dma_start3A_146] : memref<200x2x128x8x128xf32, #tpu.memory_space<hbm>> -> memref<1x2x1x8x128xf32, #tpu.memory_space<hbm>>
      %dma_start3A_148 = tpu.memref_squeeze %dma_start3A_147 : memref<1x2x1x8x128xf32, #tpu.memory_space<hbm>> -> memref<2x8x128xf32, #tpu.memory_space<hbm>>
      %dma_start3A_149 = arith.constant 0 : i32
      %dma_start3A_150 = arith.constant 0 : i32
      %dma_start3A_151 = arith.constant 0 : i32
      %dma_start3A_152 = tpu.memref_slice %arg10[%dma_start3A_149, %dma_start3A_150, %dma_start3A_151] : memref<2x8x129xf32, #tpu.memory_space<vmem>> -> memref<2x8x128xf32, #tpu.memory_space<vmem>>
      tpu.enqueue_dma source(%dma_start3A_152 : memref<2x8x128xf32, #tpu.memory_space<vmem>>) target(%dma_start3A_148 : memref<2x8x128xf32, #tpu.memory_space<hbm>>) target_semaphore(%arg16 : memref<!tpu.dma_semaphore, #tpu.memory_space<semaphore_mem>>)
      %mul3A_153 = arith.constant 4 : i32
      %mul3A_154 = arith.muli %scan3A_82, %mul3A_153 : i32
      %add3A_155 = arith.constant 1 : i32
      %add3A_156 = arith.addi %mul3A_154, %add3A_155 : i32
      %jit3A_157 = arith.constant 200 : i32
      %eq3A_158 = arith.constant 0 : i32
      %eq3A_159 = arith.cmpi eq, %jit3A_157, %eq3A_158 : i32
      %jit3A_160 = arith.constant 1 : i32
      %select_n3A_161 = arith.select %eq3A_159, %jit3A_160, %jit3A_157 : i32
      %rem3A_162 = arith.remsi %add3A_156, %select_n3A_161 : i32
      %ne3A_163 = arith.constant 0 : i32
      %ne3A_164 = arith.cmpi ne, %rem3A_162, %ne3A_163 : i32
      %lt3A_165 = arith.constant 0 : i32
      %lt3A_166 = arith.cmpi slt, %rem3A_162, %lt3A_165 : i32
      %lt3A_167 = arith.constant 0 : i32
      %lt3A_168 = arith.cmpi slt, %select_n3A_161, %lt3A_167 : i32
      %ne3A_169 = arith.xori %lt3A_166, %lt3A_168 : i1
      %and3A_170 = arith.andi %ne3A_169, %ne3A_164 : i1
      %add3A_171 = arith.addi %rem3A_162, %select_n3A_161 : i32
      %select_n3A_172 = arith.select %and3A_170, %add3A_171, %rem3A_162 : i32
      %jit3A_173 = arith.constant 200 : i32
      %div3A_174 = arith.divsi %add3A_156, %jit3A_173 : i32
      %sign3A_175 = arith.constant 0 : i32
      %sign3A_176 = arith.cmpi sgt, %add3A_156, %sign3A_175 : i32
      %sign3A_177 = arith.extui %sign3A_176 : i1 to i32
      %sign3A_178 = arith.constant 0 : i32
      %sign3A_179 = arith.cmpi slt, %add3A_156, %sign3A_178 : i32
      %sign3A_180 = arith.extui %sign3A_179 : i1 to i32
      %sign3A_181 = arith.subi %sign3A_177, %sign3A_180 : i32
      %sign3A_182 = arith.constant 0 : i32
      %sign3A_183 = arith.cmpi sgt, %jit3A_173, %sign3A_182 : i32
      %sign3A_184 = arith.extui %sign3A_183 : i1 to i32
      %sign3A_185 = arith.constant 0 : i32
      %sign3A_186 = arith.cmpi slt, %jit3A_173, %sign3A_185 : i32
      %sign3A_187 = arith.extui %sign3A_186 : i1 to i32
      %sign3A_188 = arith.subi %sign3A_184, %sign3A_187 : i32
      %ne3A_189 = arith.cmpi ne, %sign3A_181, %sign3A_188 : i32
      %rem3A_190 = arith.remsi %add3A_156, %jit3A_173 : i32
      %ne3A_191 = arith.constant 0 : i32
      %ne3A_192 = arith.cmpi ne, %rem3A_190, %ne3A_191 : i32
      %and3A_193 = arith.andi %ne3A_189, %ne3A_192 : i1
      %sub3A_194 = arith.constant 1 : i32
      %sub3A_195 = arith.subi %div3A_174, %sub3A_194 : i32
      %select_n3A_196 = arith.select %and3A_193, %sub3A_195, %div3A_174 : i32
      %add3A_197 = arith.addi %mul3A_2, %select_n3A_196 : i32
      %dma_wait3A_198 = arith.constant 0 : i32
      %dma_wait3A_199 = arith.constant 0 : i32
      %dma_wait3A_200 = tpu.memref_slice %arg2[%dma_wait3A_198, %dma_wait3A_199] : memref<1000000x16xf32, #tpu.memory_space<hbm>> -> memref<128x16xf32, #tpu.memory_space<hbm>>
      %dma_wait3A_201 = arith.constant 0 : i32
      %dma_wait3A_202 = arith.constant 0 : i32
      %dma_wait3A_203 = tpu.memref_slice %arg2[%dma_wait3A_201, %dma_wait3A_202] : memref<1000000x16xf32, #tpu.memory_space<hbm>> -> memref<128x16xf32, #tpu.memory_space<hbm>>
      tpu.wait_dma2 semaphore(%arg13 : memref<!tpu.dma_semaphore, #tpu.memory_space<semaphore_mem>>) src(%dma_wait3A_203 : memref<128x16xf32, #tpu.memory_space<hbm>>) dst(%arg7 : memref<128x16xf32, #tpu.memory_space<vmem>>)
      %ge3A_204 = arith.constant 2 : i32
      %ge3A_205 = arith.cmpi sge, %add3A_156, %ge3A_204 : i32
      %convert_element_type3A_206 = arith.extui %ge3A_205 : i1 to i32
      %cond3A_207 = arith.constant 0 : i32
      %cond3A_208 = arith.cmpi ne, %convert_element_type3A_206, %cond3A_207 : i32
      scf.if %cond3A_208 {
        %dma_wait3A_405 = arith.constant 0 : i32
        %dma_wait3A_406 = arith.constant 0 : i32
        %dma_wait3A_407 = arith.constant 0 : i32
        %dma_wait3A_408 = arith.constant 0 : i32
        %dma_wait3A_409 = arith.constant 0 : i32
        %dma_wait3A_410 = tpu.memref_slice %arg11[%dma_wait3A_407, %dma_wait3A_408, %dma_wait3A_409] : memref<2x8x129xf32, #tpu.memory_space<vmem>> -> memref<2x8x128xf32, #tpu.memory_space<vmem>>
        %dma_wait3A_411 = arith.constant 0 : i32
        %dma_wait3A_412 = arith.constant 0 : i32
        %dma_wait3A_413 = arith.constant 0 : i32
        %dma_wait3A_414 = tpu.memref_slice %arg4[%dma_wait3A_405, %dma_wait3A_411, %dma_wait3A_406, %dma_wait3A_412, %dma_wait3A_413] : memref<200x2x128x8x128xf32, #tpu.memory_space<hbm>> -> memref<1x2x1x8x128xf32, #tpu.memory_space<hbm>>
        %dma_wait3A_415 = tpu.memref_squeeze %dma_wait3A_414 : memref<1x2x1x8x128xf32, #tpu.memory_space<hbm>> -> memref<2x8x128xf32, #tpu.memory_space<hbm>>
        %dma_wait3A_416 = arith.constant 0 : i32
        %dma_wait3A_417 = arith.constant 0 : i32
        %dma_wait3A_418 = arith.constant 0 : i32
        %dma_wait3A_419 = tpu.memref_slice %arg4[%dma_wait3A_405, %dma_wait3A_416, %dma_wait3A_406, %dma_wait3A_417, %dma_wait3A_418] : memref<200x2x128x8x128xf32, #tpu.memory_space<hbm>> -> memref<1x2x1x8x128xf32, #tpu.memory_space<hbm>>
        %dma_wait3A_420 = tpu.memref_squeeze %dma_wait3A_419 : memref<1x2x1x8x128xf32, #tpu.memory_space<hbm>> -> memref<2x8x128xf32, #tpu.memory_space<hbm>>
        %dma_wait3A_421 = arith.constant 0 : i32
        %dma_wait3A_422 = arith.constant 0 : i32
        %dma_wait3A_423 = arith.constant 0 : i32
        %dma_wait3A_424 = tpu.memref_slice %arg11[%dma_wait3A_421, %dma_wait3A_422, %dma_wait3A_423] : memref<2x8x129xf32, #tpu.memory_space<vmem>> -> memref<2x8x128xf32, #tpu.memory_space<vmem>>
        tpu.wait_dma2 semaphore(%arg17 : memref<!tpu.dma_semaphore, #tpu.memory_space<semaphore_mem>>) src(%dma_wait3A_424 : memref<2x8x128xf32, #tpu.memory_space<vmem>>) dst(%dma_wait3A_420 : memref<2x8x128xf32, #tpu.memory_space<hbm>>)
      } else {
      }
      %parallel_loop3A_209 = arith.constant 0 : i32
      %parallel_loop3A_210 = arith.constant 128 : i32
      %parallel_loop3A_211 = arith.constant 1 : i32
      scf.for %parallel_loop3A_405 = %parallel_loop3A_209 to %parallel_loop3A_210 step %parallel_loop3A_211  : i32 {
        %parallel_loop3A_406 = arith.index_cast %parallel_loop3A_405 : i32 to index
        %parallel_loop3A_407 = arith.constant 0 : index
        %parallel_loop3A_408 = tpu.vector_load %arg7[%parallel_loop3A_406, %parallel_loop3A_407] {strides = array<i32>} : memref<128x16xf32, #tpu.memory_space<vmem>>, vector<16xf32>,
        %parallel_loop3A_409 = arith.constant 8 : i32
        %parallel_loop3A_410 = vector.broadcast %parallel_loop3A_409 : i32 to vector<16xi32>
        %parallel_loop3A_411 = arith.divsi %iota3A, %parallel_loop3A_410 : vector<16xi32>
        %parallel_loop3A_412 = arith.constant 0 : i32
        %parallel_loop3A_413 = vector.broadcast %parallel_loop3A_412 : i32 to vector<16xi32>
        %parallel_loop3A_414 = arith.cmpi sgt, %iota3A, %parallel_loop3A_413 : vector<16xi32>
        %parallel_loop3A_415 = arith.extui %parallel_loop3A_414 : vector<16xi1> to vector<16xi32>
        %parallel_loop3A_416 = arith.constant 0 : i32
        %parallel_loop3A_417 = vector.broadcast %parallel_loop3A_416 : i32 to vector<16xi32>
        %parallel_loop3A_418 = arith.cmpi slt, %iota3A, %parallel_loop3A_417 : vector<16xi32>
        %parallel_loop3A_419 = arith.extui %parallel_loop3A_418 : vector<16xi1> to vector<16xi32>
        %parallel_loop3A_420 = arith.subi %parallel_loop3A_415, %parallel_loop3A_419 : vector<16xi32>
        %parallel_loop3A_421 = arith.constant 0 : i32
        %parallel_loop3A_422 = arith.cmpi sgt, %parallel_loop3A_409, %parallel_loop3A_421 : i32
        %parallel_loop3A_423 = arith.extui %parallel_loop3A_422 : i1 to i32
        %parallel_loop3A_424 = arith.constant 0 : i32
        %parallel_loop3A_425 = arith.cmpi slt, %parallel_loop3A_409, %parallel_loop3A_424 : i32
        %parallel_loop3A_426 = arith.extui %parallel_loop3A_425 : i1 to i32
        %parallel_loop3A_427 = arith.subi %parallel_loop3A_423, %parallel_loop3A_426 : i32
        %parallel_loop3A_428 = vector.broadcast %parallel_loop3A_427 : i32 to vector<16xi32>
        %parallel_loop3A_429 = arith.cmpi ne, %parallel_loop3A_420, %parallel_loop3A_428 : vector<16xi32>
        %parallel_loop3A_430 = vector.broadcast %parallel_loop3A_409 : i32 to vector<16xi32>
        %parallel_loop3A_431 = arith.remsi %iota3A, %parallel_loop3A_430 : vector<16xi32>
        %parallel_loop3A_432 = arith.constant 0 : i32
        %parallel_loop3A_433 = vector.broadcast %parallel_loop3A_432 : i32 to vector<16xi32>
        %parallel_loop3A_434 = arith.cmpi ne, %parallel_loop3A_431, %parallel_loop3A_433 : vector<16xi32>
        %parallel_loop3A_435 = arith.andi %parallel_loop3A_429, %parallel_loop3A_434 : vector<16xi1>
        %parallel_loop3A_436 = arith.constant 1 : i32
        %parallel_loop3A_437 = vector.broadcast %parallel_loop3A_436 : i32 to vector<16xi32>
        %parallel_loop3A_438 = arith.subi %parallel_loop3A_411, %parallel_loop3A_437 : vector<16xi32>
        %parallel_loop3A_439 = arith.select %parallel_loop3A_435, %parallel_loop3A_438, %parallel_loop3A_411 : vector<16xi1>, vector<16xi32>
        %parallel_loop3A_440 = arith.constant 8 : i32
        %parallel_loop3A_441 = arith.constant 0 : i32
        %parallel_loop3A_442 = arith.cmpi eq, %parallel_loop3A_440, %parallel_loop3A_441 : i32
        %parallel_loop3A_443 = arith.constant 1 : i32
        %parallel_loop3A_444 = arith.select %parallel_loop3A_442, %parallel_loop3A_443, %parallel_loop3A_440 : i32
        %parallel_loop3A_445 = vector.broadcast %parallel_loop3A_444 : i32 to vector<16xi32>
        %parallel_loop3A_446 = arith.remsi %iota3A, %parallel_loop3A_445 : vector<16xi32>
        %parallel_loop3A_447 = arith.constant 0 : i32
        %parallel_loop3A_448 = vector.broadcast %parallel_loop3A_447 : i32 to vector<16xi32>
        %parallel_loop3A_449 = arith.cmpi ne, %parallel_loop3A_446, %parallel_loop3A_448 : vector<16xi32>
        %parallel_loop3A_450 = arith.constant 0 : i32
        %parallel_loop3A_451 = vector.broadcast %parallel_loop3A_450 : i32 to vector<16xi32>
        %parallel_loop3A_452 = arith.cmpi slt, %parallel_loop3A_446, %parallel_loop3A_451 : vector<16xi32>
        %parallel_loop3A_453 = arith.constant 0 : i32
        %parallel_loop3A_454 = arith.cmpi slt, %parallel_loop3A_444, %parallel_loop3A_453 : i32
        %parallel_loop3A_455 = vector.broadcast %parallel_loop3A_454 : i1 to vector<16xi1>
        %parallel_loop3A_456 = vector.broadcast %parallel_loop3A_455 : vector<16xi1> to vector<16xi1>
        %parallel_loop3A_457 = arith.xori %parallel_loop3A_452, %parallel_loop3A_456 : vector<16xi1>
        %parallel_loop3A_458 = arith.andi %parallel_loop3A_457, %parallel_loop3A_449 : vector<16xi1>
        %parallel_loop3A_459 = vector.broadcast %parallel_loop3A_444 : i32 to vector<16xi32>
        %parallel_loop3A_460 = arith.addi %parallel_loop3A_446, %parallel_loop3A_459 : vector<16xi32>
        %parallel_loop3A_461 = arith.select %parallel_loop3A_458, %parallel_loop3A_460, %parallel_loop3A_446 : vector<16xi1>, vector<16xi32>
        %parallel_loop3A_462 = vector.broadcast %parallel_loop3A_405 : i32 to vector<16xi32>
        tpu.vector_store_idx %arg11[%parallel_loop3A_439, %parallel_loop3A_461, %parallel_loop3A_462], %parallel_loop3A_408 : memref<2x8x129xf32, #tpu.memory_space<vmem>>[vector<16xi32>, vector<16xi32>, vector<16xi32>], vector<16xf32>,
      } {sc.loop_unroll_factor = 16 : i64, sc.parallel_access}
      %add3A_212 = arith.constant 4 : i32
      %add3A_213 = arith.addi %add3A_156, %add3A_212 : i32
      %lt3A_214 = arith.constant 800 : i32
      %lt3A_215 = arith.cmpi slt, %add3A_213, %lt3A_214 : i32
      %convert_element_type3A_216 = arith.extui %lt3A_215 : i1 to i32
      %cond3A_217 = arith.constant 0 : i32
      %cond3A_218 = arith.cmpi ne, %convert_element_type3A_216, %cond3A_217 : i32
      scf.if %cond3A_218 {
        %add3A_405 = arith.constant 4 : i32
        %add3A_406 = arith.addi %add3A_156, %add3A_405 : i32
        %jit3A_407 = arith.constant 200 : i32
        %eq3A_408 = arith.constant 0 : i32
        %eq3A_409 = arith.cmpi eq, %jit3A_407, %eq3A_408 : i32
        %jit3A_410 = arith.constant 1 : i32
        %select_n3A_411 = arith.select %eq3A_409, %jit3A_410, %jit3A_407 : i32
        %rem3A_412 = arith.remsi %add3A_406, %select_n3A_411 : i32
        %ne3A_413 = arith.constant 0 : i32
        %ne3A_414 = arith.cmpi ne, %rem3A_412, %ne3A_413 : i32
        %lt3A_415 = arith.constant 0 : i32
        %lt3A_416 = arith.cmpi slt, %rem3A_412, %lt3A_415 : i32
        %lt3A_417 = arith.constant 0 : i32
        %lt3A_418 = arith.cmpi slt, %select_n3A_411, %lt3A_417 : i32
        %ne3A_419 = arith.xori %lt3A_416, %lt3A_418 : i1
        %and3A_420 = arith.andi %ne3A_419, %ne3A_414 : i1
        %add3A_421 = arith.addi %rem3A_412, %select_n3A_411 : i32
        %select_n3A_422 = arith.select %and3A_420, %add3A_421, %rem3A_412 : i32
        %jit3A_423 = arith.constant 200 : i32
        %div3A_424 = arith.divsi %add3A_406, %jit3A_423 : i32
        %sign3A_425 = arith.constant 0 : i32
        %sign3A_426 = arith.cmpi sgt, %add3A_406, %sign3A_425 : i32
        %sign3A_427 = arith.extui %sign3A_426 : i1 to i32
        %sign3A_428 = arith.constant 0 : i32
        %sign3A_429 = arith.cmpi slt, %add3A_406, %sign3A_428 : i32
        %sign3A_430 = arith.extui %sign3A_429 : i1 to i32
        %sign3A_431 = arith.subi %sign3A_427, %sign3A_430 : i32
        %sign3A_432 = arith.constant 0 : i32
        %sign3A_433 = arith.cmpi sgt, %jit3A_423, %sign3A_432 : i32
        %sign3A_434 = arith.extui %sign3A_433 : i1 to i32
        %sign3A_435 = arith.constant 0 : i32
        %sign3A_436 = arith.cmpi slt, %jit3A_423, %sign3A_435 : i32
        %sign3A_437 = arith.extui %sign3A_436 : i1 to i32
        %sign3A_438 = arith.subi %sign3A_434, %sign3A_437 : i32
        %ne3A_439 = arith.cmpi ne, %sign3A_431, %sign3A_438 : i32
        %rem3A_440 = arith.remsi %add3A_406, %jit3A_423 : i32
        %ne3A_441 = arith.constant 0 : i32
        %ne3A_442 = arith.cmpi ne, %rem3A_440, %ne3A_441 : i32
        %and3A_443 = arith.andi %ne3A_439, %ne3A_442 : i1
        %sub3A_444 = arith.constant 1 : i32
        %sub3A_445 = arith.subi %div3A_424, %sub3A_444 : i32
        %select_n3A_446 = arith.select %and3A_443, %sub3A_445, %div3A_424 : i32
        %jit3A_447 = arith.constant 8 : i32
        %div3A_448 = arith.divsi %select_n3A_422, %jit3A_447 : i32
        %sign3A_449 = arith.constant 0 : i32
        %sign3A_450 = arith.cmpi sgt, %select_n3A_422, %sign3A_449 : i32
        %sign3A_451 = arith.extui %sign3A_450 : i1 to i32
        %sign3A_452 = arith.constant 0 : i32
        %sign3A_453 = arith.cmpi slt, %select_n3A_422, %sign3A_452 : i32
        %sign3A_454 = arith.extui %sign3A_453 : i1 to i32
        %sign3A_455 = arith.subi %sign3A_451, %sign3A_454 : i32
        %sign3A_456 = arith.constant 0 : i32
        %sign3A_457 = arith.cmpi sgt, %jit3A_447, %sign3A_456 : i32
        %sign3A_458 = arith.extui %sign3A_457 : i1 to i32
        %sign3A_459 = arith.constant 0 : i32
        %sign3A_460 = arith.cmpi slt, %jit3A_447, %sign3A_459 : i32
        %sign3A_461 = arith.extui %sign3A_460 : i1 to i32
        %sign3A_462 = arith.subi %sign3A_458, %sign3A_461 : i32
        %ne3A_463 = arith.cmpi ne, %sign3A_455, %sign3A_462 : i32
        %rem3A_464 = arith.remsi %select_n3A_422, %jit3A_447 : i32
        %ne3A_465 = arith.constant 0 : i32
        %ne3A_466 = arith.cmpi ne, %rem3A_464, %ne3A_465 : i32
        %and3A_467 = arith.andi %ne3A_463, %ne3A_466 : i1
        %sub3A_468 = arith.constant 1 : i32
        %sub3A_469 = arith.subi %div3A_448, %sub3A_468 : i32
        %select_n3A_470 = arith.select %and3A_467, %sub3A_469, %div3A_448 : i32
        %jit3A_471 = arith.constant 8 : i32
        %eq3A_472 = arith.constant 0 : i32
        %eq3A_473 = arith.cmpi eq, %jit3A_471, %eq3A_472 : i32
        %jit3A_474 = arith.constant 1 : i32
        %select_n3A_475 = arith.select %eq3A_473, %jit3A_474, %jit3A_471 : i32
        %rem3A_476 = arith.remsi %select_n3A_422, %select_n3A_475 : i32
        %ne3A_477 = arith.constant 0 : i32
        %ne3A_478 = arith.cmpi ne, %rem3A_476, %ne3A_477 : i32
        %lt3A_479 = arith.constant 0 : i32
        %lt3A_480 = arith.cmpi slt, %rem3A_476, %lt3A_479 : i32
        %lt3A_481 = arith.constant 0 : i32
        %lt3A_482 = arith.cmpi slt, %select_n3A_475, %lt3A_481 : i32
        %ne3A_483 = arith.xori %lt3A_480, %lt3A_482 : i1
        %and3A_484 = arith.andi %ne3A_483, %ne3A_478 : i1
        %add3A_485 = arith.addi %rem3A_476, %select_n3A_475 : i32
        %select_n3A_486 = arith.select %and3A_484, %add3A_485, %rem3A_476 : i32
        %dma_start3A_487 = arith.constant 0 : i32
        %dma_start3A_488 = tpu.memref_slice %arg5[%select_n3A_470, %select_n3A_446, %select_n3A_486, %dma_start3A_487] : memref<25x4x8x128xi32, #tpu.memory_space<vmem>> -> memref<1x1x1x128xi32, #tpu.memory_space<vmem>>
        %dma_start3A_489 = tpu.memref_squeeze %dma_start3A_488 : memref<1x1x1x128xi32, #tpu.memory_space<vmem>> -> memref<128xi32, #tpu.memory_space<vmem>>
        %dma_start3A_490 = arith.constant 0 : i32
        %dma_start3A_491 = arith.constant 0 : i32
        %dma_start3A_492 = tpu.memref_slice %arg2[%dma_start3A_490, %dma_start3A_491] : memref<1000000x16xf32, #tpu.memory_space<hbm>> -> memref<1000000x16xf32, #tpu.memory_space<hbm>>
        tpu.enqueue_indirect_dma source(%dma_start3A_492 : memref<1000000x16xf32, #tpu.memory_space<hbm>>) target(%arg7 : memref<128x16xf32, #tpu.memory_space<vmem>>) offsets(%dma_start3A_489 : memref<128xi32, #tpu.memory_space<vmem>>) semaphore(%arg13 : memref<!tpu.dma_semaphore, #tpu.memory_space<semaphore_mem>>)
      } else {
      }
      %dma_start3A_219 = arith.constant 0 : i32
      %dma_start3A_220 = arith.constant 0 : i32
      %dma_start3A_221 = arith.constant 0 : i32
      %dma_start3A_222 = tpu.memref_slice %arg11[%dma_start3A_219, %dma_start3A_220, %dma_start3A_221] : memref<2x8x129xf32, #tpu.memory_space<vmem>> -> memref<2x8x128xf32, #tpu.memory_space<vmem>>
      %dma_start3A_223 = arith.constant 0 : i32
      %dma_start3A_224 = arith.constant 0 : i32
      %dma_start3A_225 = arith.constant 0 : i32
      %dma_start3A_226 = tpu.memref_slice %arg4[%select_n3A_172, %dma_start3A_223, %add3A_197, %dma_start3A_224, %dma_start3A_225] : memref<200x2x128x8x128xf32, #tpu.memory_space<hbm>> -> memref<1x2x1x8x128xf32, #tpu.memory_space<hbm>>
      %dma_start3A_227 = tpu.memref_squeeze %dma_start3A_226 : memref<1x2x1x8x128xf32, #tpu.memory_space<hbm>> -> memref<2x8x128xf32, #tpu.memory_space<hbm>>
      %dma_start3A_228 = arith.constant 0 : i32
      %dma_start3A_229 = arith.constant 0 : i32
      %dma_start3A_230 = arith.constant 0 : i32
      %dma_start3A_231 = tpu.memref_slice %arg4[%select_n3A_172, %dma_start3A_228, %add3A_197, %dma_start3A_229, %dma_start3A_230] : memref<200x2x128x8x128xf32, #tpu.memory_space<hbm>> -> memref<1x2x1x8x128xf32, #tpu.memory_space<hbm>>
      %dma_start3A_232 = tpu.memref_squeeze %dma_start3A_231 : memref<1x2x1x8x128xf32, #tpu.memory_space<hbm>> -> memref<2x8x128xf32, #tpu.memory_space<hbm>>
      %dma_start3A_233 = arith.constant 0 : i32
      %dma_start3A_234 = arith.constant 0 : i32
      %dma_start3A_235 = arith.constant 0 : i32
      %dma_start3A_236 = tpu.memref_slice %arg11[%dma_start3A_233, %dma_start3A_234, %dma_start3A_235] : memref<2x8x129xf32, #tpu.memory_space<vmem>> -> memref<2x8x128xf32, #tpu.memory_space<vmem>>
      tpu.enqueue_dma source(%dma_start3A_236 : memref<2x8x128xf32, #tpu.memory_space<vmem>>) target(%dma_start3A_232 : memref<2x8x128xf32, #tpu.memory_space<hbm>>) target_semaphore(%arg17 : memref<!tpu.dma_semaphore, #tpu.memory_space<semaphore_mem>>)
      %mul3A_237 = arith.constant 4 : i32
      %mul3A_238 = arith.muli %scan3A_82, %mul3A_237 : i32
      %add3A_239 = arith.constant 2 : i32
      %add3A_240 = arith.addi %mul3A_238, %add3A_239 : i32
      %jit3A_241 = arith.constant 200 : i32
      %eq3A_242 = arith.constant 0 : i32
      %eq3A_243 = arith.cmpi eq, %jit3A_241, %eq3A_242 : i32
      %jit3A_244 = arith.constant 1 : i32
      %select_n3A_245 = arith.select %eq3A_243, %jit3A_244, %jit3A_241 : i32
      %rem3A_246 = arith.remsi %add3A_240, %select_n3A_245 : i32
      %ne3A_247 = arith.constant 0 : i32
      %ne3A_248 = arith.cmpi ne, %rem3A_246, %ne3A_247 : i32
      %lt3A_249 = arith.constant 0 : i32
      %lt3A_250 = arith.cmpi slt, %rem3A_246, %lt3A_249 : i32
      %lt3A_251 = arith.constant 0 : i32
      %lt3A_252 = arith.cmpi slt, %select_n3A_245, %lt3A_251 : i32
      %ne3A_253 = arith.xori %lt3A_250, %lt3A_252 : i1
      %and3A_254 = arith.andi %ne3A_253, %ne3A_248 : i1
      %add3A_255 = arith.addi %rem3A_246, %select_n3A_245 : i32
      %select_n3A_256 = arith.select %and3A_254, %add3A_255, %rem3A_246 : i32
      %jit3A_257 = arith.constant 200 : i32
      %div3A_258 = arith.divsi %add3A_240, %jit3A_257 : i32
      %sign3A_259 = arith.constant 0 : i32
      %sign3A_260 = arith.cmpi sgt, %add3A_240, %sign3A_259 : i32
      %sign3A_261 = arith.extui %sign3A_260 : i1 to i32
      %sign3A_262 = arith.constant 0 : i32
      %sign3A_263 = arith.cmpi slt, %add3A_240, %sign3A_262 : i32
      %sign3A_264 = arith.extui %sign3A_263 : i1 to i32
      %sign3A_265 = arith.subi %sign3A_261, %sign3A_264 : i32
      %sign3A_266 = arith.constant 0 : i32
      %sign3A_267 = arith.cmpi sgt, %jit3A_257, %sign3A_266 : i32
      %sign3A_268 = arith.extui %sign3A_267 : i1 to i32
      %sign3A_269 = arith.constant 0 : i32
      %sign3A_270 = arith.cmpi slt, %jit3A_257, %sign3A_269 : i32
      %sign3A_271 = arith.extui %sign3A_270 : i1 to i32
      %sign3A_272 = arith.subi %sign3A_268, %sign3A_271 : i32
      %ne3A_273 = arith.cmpi ne, %sign3A_265, %sign3A_272 : i32
      %rem3A_274 = arith.remsi %add3A_240, %jit3A_257 : i32
      %ne3A_275 = arith.constant 0 : i32
      %ne3A_276 = arith.cmpi ne, %rem3A_274, %ne3A_275 : i32
      %and3A_277 = arith.andi %ne3A_273, %ne3A_276 : i1
      %sub3A_278 = arith.constant 1 : i32
      %sub3A_279 = arith.subi %div3A_258, %sub3A_278 : i32
      %select_n3A_280 = arith.select %and3A_277, %sub3A_279, %div3A_258 : i32
      %add3A_281 = arith.addi %mul3A_2, %select_n3A_280 : i32
      %dma_wait3A_282 = arith.constant 0 : i32
      %dma_wait3A_283 = arith.constant 0 : i32
      %dma_wait3A_284 = tpu.memref_slice %arg2[%dma_wait3A_282, %dma_wait3A_283] : memref<1000000x16xf32, #tpu.memory_space<hbm>> -> memref<128x16xf32, #tpu.memory_space<hbm>>
      %dma_wait3A_285 = arith.constant 0 : i32
      %dma_wait3A_286 = arith.constant 0 : i32
      %dma_wait3A_287 = tpu.memref_slice %arg2[%dma_wait3A_285, %dma_wait3A_286] : memref<1000000x16xf32, #tpu.memory_space<hbm>> -> memref<128x16xf32, #tpu.memory_space<hbm>>
      tpu.wait_dma2 semaphore(%arg14 : memref<!tpu.dma_semaphore, #tpu.memory_space<semaphore_mem>>) src(%dma_wait3A_287 : memref<128x16xf32, #tpu.memory_space<hbm>>) dst(%arg8 : memref<128x16xf32, #tpu.memory_space<vmem>>)
      %ge3A_288 = arith.constant 2 : i32
      %ge3A_289 = arith.cmpi sge, %add3A_240, %ge3A_288 : i32
      %convert_element_type3A_290 = arith.extui %ge3A_289 : i1 to i32
      %cond3A_291 = arith.constant 0 : i32
      %cond3A_292 = arith.cmpi ne, %convert_element_type3A_290, %cond3A_291 : i32
      scf.if %cond3A_292 {
        %dma_wait3A_405 = arith.constant 0 : i32
        %dma_wait3A_406 = arith.constant 0 : i32
        %dma_wait3A_407 = arith.constant 0 : i32
        %dma_wait3A_408 = arith.constant 0 : i32
        %dma_wait3A_409 = arith.constant 0 : i32
        %dma_wait3A_410 = tpu.memref_slice %arg10[%dma_wait3A_407, %dma_wait3A_408, %dma_wait3A_409] : memref<2x8x129xf32, #tpu.memory_space<vmem>> -> memref<2x8x128xf32, #tpu.memory_space<vmem>>
        %dma_wait3A_411 = arith.constant 0 : i32
        %dma_wait3A_412 = arith.constant 0 : i32
        %dma_wait3A_413 = arith.constant 0 : i32
        %dma_wait3A_414 = tpu.memref_slice %arg4[%dma_wait3A_405, %dma_wait3A_411, %dma_wait3A_406, %dma_wait3A_412, %dma_wait3A_413] : memref<200x2x128x8x128xf32, #tpu.memory_space<hbm>> -> memref<1x2x1x8x128xf32, #tpu.memory_space<hbm>>
        %dma_wait3A_415 = tpu.memref_squeeze %dma_wait3A_414 : memref<1x2x1x8x128xf32, #tpu.memory_space<hbm>> -> memref<2x8x128xf32, #tpu.memory_space<hbm>>
        %dma_wait3A_416 = arith.constant 0 : i32
        %dma_wait3A_417 = arith.constant 0 : i32
        %dma_wait3A_418 = arith.constant 0 : i32
        %dma_wait3A_419 = tpu.memref_slice %arg4[%dma_wait3A_405, %dma_wait3A_416, %dma_wait3A_406, %dma_wait3A_417, %dma_wait3A_418] : memref<200x2x128x8x128xf32, #tpu.memory_space<hbm>> -> memref<1x2x1x8x128xf32, #tpu.memory_space<hbm>>
        %dma_wait3A_420 = tpu.memref_squeeze %dma_wait3A_419 : memref<1x2x1x8x128xf32, #tpu.memory_space<hbm>> -> memref<2x8x128xf32, #tpu.memory_space<hbm>>
        %dma_wait3A_421 = arith.constant 0 : i32
        %dma_wait3A_422 = arith.constant 0 : i32
        %dma_wait3A_423 = arith.constant 0 : i32
        %dma_wait3A_424 = tpu.memref_slice %arg10[%dma_wait3A_421, %dma_wait3A_422, %dma_wait3A_423] : memref<2x8x129xf32, #tpu.memory_space<vmem>> -> memref<2x8x128xf32, #tpu.memory_space<vmem>>
        tpu.wait_dma2 semaphore(%arg16 : memref<!tpu.dma_semaphore, #tpu.memory_space<semaphore_mem>>) src(%dma_wait3A_424 : memref<2x8x128xf32, #tpu.memory_space<vmem>>) dst(%dma_wait3A_420 : memref<2x8x128xf32, #tpu.memory_space<hbm>>)
      } else {
      }
      %parallel_loop3A_293 = arith.constant 0 : i32
      %parallel_loop3A_294 = arith.constant 128 : i32
      %parallel_loop3A_295 = arith.constant 1 : i32
      scf.for %parallel_loop3A_405 = %parallel_loop3A_293 to %parallel_loop3A_294 step %parallel_loop3A_295  : i32 {
        %parallel_loop3A_406 = arith.index_cast %parallel_loop3A_405 : i32 to index
        %parallel_loop3A_407 = arith.constant 0 : index
        %parallel_loop3A_408 = tpu.vector_load %arg8[%parallel_loop3A_406, %parallel_loop3A_407] {strides = array<i32>} : memref<128x16xf32, #tpu.memory_space<vmem>>, vector<16xf32>,
        %parallel_loop3A_409 = arith.constant 8 : i32
        %parallel_loop3A_410 = vector.broadcast %parallel_loop3A_409 : i32 to vector<16xi32>
        %parallel_loop3A_411 = arith.divsi %iota3A, %parallel_loop3A_410 : vector<16xi32>
        %parallel_loop3A_412 = arith.constant 0 : i32
        %parallel_loop3A_413 = vector.broadcast %parallel_loop3A_412 : i32 to vector<16xi32>
        %parallel_loop3A_414 = arith.cmpi sgt, %iota3A, %parallel_loop3A_413 : vector<16xi32>
        %parallel_loop3A_415 = arith.extui %parallel_loop3A_414 : vector<16xi1> to vector<16xi32>
        %parallel_loop3A_416 = arith.constant 0 : i32
        %parallel_loop3A_417 = vector.broadcast %parallel_loop3A_416 : i32 to vector<16xi32>
        %parallel_loop3A_418 = arith.cmpi slt, %iota3A, %parallel_loop3A_417 : vector<16xi32>
        %parallel_loop3A_419 = arith.extui %parallel_loop3A_418 : vector<16xi1> to vector<16xi32>
        %parallel_loop3A_420 = arith.subi %parallel_loop3A_415, %parallel_loop3A_419 : vector<16xi32>
        %parallel_loop3A_421 = arith.constant 0 : i32
        %parallel_loop3A_422 = arith.cmpi sgt, %parallel_loop3A_409, %parallel_loop3A_421 : i32
        %parallel_loop3A_423 = arith.extui %parallel_loop3A_422 : i1 to i32
        %parallel_loop3A_424 = arith.constant 0 : i32
        %parallel_loop3A_425 = arith.cmpi slt, %parallel_loop3A_409, %parallel_loop3A_424 : i32
        %parallel_loop3A_426 = arith.extui %parallel_loop3A_425 : i1 to i32
        %parallel_loop3A_427 = arith.subi %parallel_loop3A_423, %parallel_loop3A_426 : i32
        %parallel_loop3A_428 = vector.broadcast %parallel_loop3A_427 : i32 to vector<16xi32>
        %parallel_loop3A_429 = arith.cmpi ne, %parallel_loop3A_420, %parallel_loop3A_428 : vector<16xi32>
        %parallel_loop3A_430 = vector.broadcast %parallel_loop3A_409 : i32 to vector<16xi32>
        %parallel_loop3A_431 = arith.remsi %iota3A, %parallel_loop3A_430 : vector<16xi32>
        %parallel_loop3A_432 = arith.constant 0 : i32
        %parallel_loop3A_433 = vector.broadcast %parallel_loop3A_432 : i32 to vector<16xi32>
        %parallel_loop3A_434 = arith.cmpi ne, %parallel_loop3A_431, %parallel_loop3A_433 : vector<16xi32>
        %parallel_loop3A_435 = arith.andi %parallel_loop3A_429, %parallel_loop3A_434 : vector<16xi1>
        %parallel_loop3A_436 = arith.constant 1 : i32
        %parallel_loop3A_437 = vector.broadcast %parallel_loop3A_436 : i32 to vector<16xi32>
        %parallel_loop3A_438 = arith.subi %parallel_loop3A_411, %parallel_loop3A_437 : vector<16xi32>
        %parallel_loop3A_439 = arith.select %parallel_loop3A_435, %parallel_loop3A_438, %parallel_loop3A_411 : vector<16xi1>, vector<16xi32>
        %parallel_loop3A_440 = arith.constant 8 : i32
        %parallel_loop3A_441 = arith.constant 0 : i32
        %parallel_loop3A_442 = arith.cmpi eq, %parallel_loop3A_440, %parallel_loop3A_441 : i32
        %parallel_loop3A_443 = arith.constant 1 : i32
        %parallel_loop3A_444 = arith.select %parallel_loop3A_442, %parallel_loop3A_443, %parallel_loop3A_440 : i32
        %parallel_loop3A_445 = vector.broadcast %parallel_loop3A_444 : i32 to vector<16xi32>
        %parallel_loop3A_446 = arith.remsi %iota3A, %parallel_loop3A_445 : vector<16xi32>
        %parallel_loop3A_447 = arith.constant 0 : i32
        %parallel_loop3A_448 = vector.broadcast %parallel_loop3A_447 : i32 to vector<16xi32>
        %parallel_loop3A_449 = arith.cmpi ne, %parallel_loop3A_446, %parallel_loop3A_448 : vector<16xi32>
        %parallel_loop3A_450 = arith.constant 0 : i32
        %parallel_loop3A_451 = vector.broadcast %parallel_loop3A_450 : i32 to vector<16xi32>
        %parallel_loop3A_452 = arith.cmpi slt, %parallel_loop3A_446, %parallel_loop3A_451 : vector<16xi32>
        %parallel_loop3A_453 = arith.constant 0 : i32
        %parallel_loop3A_454 = arith.cmpi slt, %parallel_loop3A_444, %parallel_loop3A_453 : i32
        %parallel_loop3A_455 = vector.broadcast %parallel_loop3A_454 : i1 to vector<16xi1>
        %parallel_loop3A_456 = vector.broadcast %parallel_loop3A_455 : vector<16xi1> to vector<16xi1>
        %parallel_loop3A_457 = arith.xori %parallel_loop3A_452, %parallel_loop3A_456 : vector<16xi1>
        %parallel_loop3A_458 = arith.andi %parallel_loop3A_457, %parallel_loop3A_449 : vector<16xi1>
        %parallel_loop3A_459 = vector.broadcast %parallel_loop3A_444 : i32 to vector<16xi32>
        %parallel_loop3A_460 = arith.addi %parallel_loop3A_446, %parallel_loop3A_459 : vector<16xi32>
        %parallel_loop3A_461 = arith.select %parallel_loop3A_458, %parallel_loop3A_460, %parallel_loop3A_446 : vector<16xi1>, vector<16xi32>
        %parallel_loop3A_462 = vector.broadcast %parallel_loop3A_405 : i32 to vector<16xi32>
        tpu.vector_store_idx %arg10[%parallel_loop3A_439, %parallel_loop3A_461, %parallel_loop3A_462], %parallel_loop3A_408 : memref<2x8x129xf32, #tpu.memory_space<vmem>>[vector<16xi32>, vector<16xi32>, vector<16xi32>], vector<16xf32>,
      } {sc.loop_unroll_factor = 16 : i64, sc.parallel_access}
      %add3A_296 = arith.constant 4 : i32
      %add3A_297 = arith.addi %add3A_240, %add3A_296 : i32
      %lt3A_298 = arith.constant 800 : i32
      %lt3A_299 = arith.cmpi slt, %add3A_297, %lt3A_298 : i32
      %convert_element_type3A_300 = arith.extui %lt3A_299 : i1 to i32
      %cond3A_301 = arith.constant 0 : i32
      %cond3A_302 = arith.cmpi ne, %convert_element_type3A_300, %cond3A_301 : i32
      scf.if %cond3A_302 {
        %add3A_405 = arith.constant 4 : i32
        %add3A_406 = arith.addi %add3A_240, %add3A_405 : i32
        %jit3A_407 = arith.constant 200 : i32
        %eq3A_408 = arith.constant 0 : i32
        %eq3A_409 = arith.cmpi eq, %jit3A_407, %eq3A_408 : i32
        %jit3A_410 = arith.constant 1 : i32
        %select_n3A_411 = arith.select %eq3A_409, %jit3A_410, %jit3A_407 : i32
        %rem3A_412 = arith.remsi %add3A_406, %select_n3A_411 : i32
        %ne3A_413 = arith.constant 0 : i32
        %ne3A_414 = arith.cmpi ne, %rem3A_412, %ne3A_413 : i32
        %lt3A_415 = arith.constant 0 : i32
        %lt3A_416 = arith.cmpi slt, %rem3A_412, %lt3A_415 : i32
        %lt3A_417 = arith.constant 0 : i32
        %lt3A_418 = arith.cmpi slt, %select_n3A_411, %lt3A_417 : i32
        %ne3A_419 = arith.xori %lt3A_416, %lt3A_418 : i1
        %and3A_420 = arith.andi %ne3A_419, %ne3A_414 : i1
        %add3A_421 = arith.addi %rem3A_412, %select_n3A_411 : i32
        %select_n3A_422 = arith.select %and3A_420, %add3A_421, %rem3A_412 : i32
        %jit3A_423 = arith.constant 200 : i32
        %div3A_424 = arith.divsi %add3A_406, %jit3A_423 : i32
        %sign3A_425 = arith.constant 0 : i32
        %sign3A_426 = arith.cmpi sgt, %add3A_406, %sign3A_425 : i32
        %sign3A_427 = arith.extui %sign3A_426 : i1 to i32
        %sign3A_428 = arith.constant 0 : i32
        %sign3A_429 = arith.cmpi slt, %add3A_406, %sign3A_428 : i32
        %sign3A_430 = arith.extui %sign3A_429 : i1 to i32
        %sign3A_431 = arith.subi %sign3A_427, %sign3A_430 : i32
        %sign3A_432 = arith.constant 0 : i32
        %sign3A_433 = arith.cmpi sgt, %jit3A_423, %sign3A_432 : i32
        %sign3A_434 = arith.extui %sign3A_433 : i1 to i32
        %sign3A_435 = arith.constant 0 : i32
        %sign3A_436 = arith.cmpi slt, %jit3A_423, %sign3A_435 : i32
        %sign3A_437 = arith.extui %sign3A_436 : i1 to i32
        %sign3A_438 = arith.subi %sign3A_434, %sign3A_437 : i32
        %ne3A_439 = arith.cmpi ne, %sign3A_431, %sign3A_438 : i32
        %rem3A_440 = arith.remsi %add3A_406, %jit3A_423 : i32
        %ne3A_441 = arith.constant 0 : i32
        %ne3A_442 = arith.cmpi ne, %rem3A_440, %ne3A_441 : i32
        %and3A_443 = arith.andi %ne3A_439, %ne3A_442 : i1
        %sub3A_444 = arith.constant 1 : i32
        %sub3A_445 = arith.subi %div3A_424, %sub3A_444 : i32
        %select_n3A_446 = arith.select %and3A_443, %sub3A_445, %div3A_424 : i32
        %jit3A_447 = arith.constant 8 : i32
        %div3A_448 = arith.divsi %select_n3A_422, %jit3A_447 : i32
        %sign3A_449 = arith.constant 0 : i32
        %sign3A_450 = arith.cmpi sgt, %select_n3A_422, %sign3A_449 : i32
        %sign3A_451 = arith.extui %sign3A_450 : i1 to i32
        %sign3A_452 = arith.constant 0 : i32
        %sign3A_453 = arith.cmpi slt, %select_n3A_422, %sign3A_452 : i32
        %sign3A_454 = arith.extui %sign3A_453 : i1 to i32
        %sign3A_455 = arith.subi %sign3A_451, %sign3A_454 : i32
        %sign3A_456 = arith.constant 0 : i32
        %sign3A_457 = arith.cmpi sgt, %jit3A_447, %sign3A_456 : i32
        %sign3A_458 = arith.extui %sign3A_457 : i1 to i32
        %sign3A_459 = arith.constant 0 : i32
        %sign3A_460 = arith.cmpi slt, %jit3A_447, %sign3A_459 : i32
        %sign3A_461 = arith.extui %sign3A_460 : i1 to i32
        %sign3A_462 = arith.subi %sign3A_458, %sign3A_461 : i32
        %ne3A_463 = arith.cmpi ne, %sign3A_455, %sign3A_462 : i32
        %rem3A_464 = arith.remsi %select_n3A_422, %jit3A_447 : i32
        %ne3A_465 = arith.constant 0 : i32
        %ne3A_466 = arith.cmpi ne, %rem3A_464, %ne3A_465 : i32
        %and3A_467 = arith.andi %ne3A_463, %ne3A_466 : i1
        %sub3A_468 = arith.constant 1 : i32
        %sub3A_469 = arith.subi %div3A_448, %sub3A_468 : i32
        %select_n3A_470 = arith.select %and3A_467, %sub3A_469, %div3A_448 : i32
        %jit3A_471 = arith.constant 8 : i32
        %eq3A_472 = arith.constant 0 : i32
        %eq3A_473 = arith.cmpi eq, %jit3A_471, %eq3A_472 : i32
        %jit3A_474 = arith.constant 1 : i32
        %select_n3A_475 = arith.select %eq3A_473, %jit3A_474, %jit3A_471 : i32
        %rem3A_476 = arith.remsi %select_n3A_422, %select_n3A_475 : i32
        %ne3A_477 = arith.constant 0 : i32
        %ne3A_478 = arith.cmpi ne, %rem3A_476, %ne3A_477 : i32
        %lt3A_479 = arith.constant 0 : i32
        %lt3A_480 = arith.cmpi slt, %rem3A_476, %lt3A_479 : i32
        %lt3A_481 = arith.constant 0 : i32
        %lt3A_482 = arith.cmpi slt, %select_n3A_475, %lt3A_481 : i32
        %ne3A_483 = arith.xori %lt3A_480, %lt3A_482 : i1
        %and3A_484 = arith.andi %ne3A_483, %ne3A_478 : i1
        %add3A_485 = arith.addi %rem3A_476, %select_n3A_475 : i32
        %select_n3A_486 = arith.select %and3A_484, %add3A_485, %rem3A_476 : i32
        %dma_start3A_487 = arith.constant 0 : i32
        %dma_start3A_488 = tpu.memref_slice %arg5[%select_n3A_470, %select_n3A_446, %select_n3A_486, %dma_start3A_487] : memref<25x4x8x128xi32, #tpu.memory_space<vmem>> -> memref<1x1x1x128xi32, #tpu.memory_space<vmem>>
        %dma_start3A_489 = tpu.memref_squeeze %dma_start3A_488 : memref<1x1x1x128xi32, #tpu.memory_space<vmem>> -> memref<128xi32, #tpu.memory_space<vmem>>
        %dma_start3A_490 = arith.constant 0 : i32
        %dma_start3A_491 = arith.constant 0 : i32
        %dma_start3A_492 = tpu.memref_slice %arg2[%dma_start3A_490, %dma_start3A_491] : memref<1000000x16xf32, #tpu.memory_space<hbm>> -> memref<1000000x16xf32, #tpu.memory_space<hbm>>
        tpu.enqueue_indirect_dma source(%dma_start3A_492 : memref<1000000x16xf32, #tpu.memory_space<hbm>>) target(%arg8 : memref<128x16xf32, #tpu.memory_space<vmem>>) offsets(%dma_start3A_489 : memref<128xi32, #tpu.memory_space<vmem>>) semaphore(%arg14 : memref<!tpu.dma_semaphore, #tpu.memory_space<semaphore_mem>>)
      } else {
      }
      %dma_start3A_303 = arith.constant 0 : i32
      %dma_start3A_304 = arith.constant 0 : i32
      %dma_start3A_305 = arith.constant 0 : i32
      %dma_start3A_306 = tpu.memref_slice %arg10[%dma_start3A_303, %dma_start3A_304, %dma_start3A_305] : memref<2x8x129xf32, #tpu.memory_space<vmem>> -> memref<2x8x128xf32, #tpu.memory_space<vmem>>
      %dma_start3A_307 = arith.constant 0 : i32
      %dma_start3A_308 = arith.constant 0 : i32
      %dma_start3A_309 = arith.constant 0 : i32
      %dma_start3A_310 = tpu.memref_slice %arg4[%select_n3A_256, %dma_start3A_307, %add3A_281, %dma_start3A_308, %dma_start3A_309] : memref<200x2x128x8x128xf32, #tpu.memory_space<hbm>> -> memref<1x2x1x8x128xf32, #tpu.memory_space<hbm>>
      %dma_start3A_311 = tpu.memref_squeeze %dma_start3A_310 : memref<1x2x1x8x128xf32, #tpu.memory_space<hbm>> -> memref<2x8x128xf32, #tpu.memory_space<hbm>>
      %dma_start3A_312 = arith.constant 0 : i32
      %dma_start3A_313 = arith.constant 0 : i32
      %dma_start3A_314 = arith.constant 0 : i32
      %dma_start3A_315 = tpu.memref_slice %arg4[%select_n3A_256, %dma_start3A_312, %add3A_281, %dma_start3A_313, %dma_start3A_314] : memref<200x2x128x8x128xf32, #tpu.memory_space<hbm>> -> memref<1x2x1x8x128xf32, #tpu.memory_space<hbm>>
      %dma_start3A_316 = tpu.memref_squeeze %dma_start3A_315 : memref<1x2x1x8x128xf32, #tpu.memory_space<hbm>> -> memref<2x8x128xf32, #tpu.memory_space<hbm>>
      %dma_start3A_317 = arith.constant 0 : i32
      %dma_start3A_318 = arith.constant 0 : i32
      %dma_start3A_319 = arith.constant 0 : i32
      %dma_start3A_320 = tpu.memref_slice %arg10[%dma_start3A_317, %dma_start3A_318, %dma_start3A_319] : memref<2x8x129xf32, #tpu.memory_space<vmem>> -> memref<2x8x128xf32, #tpu.memory_space<vmem>>
      tpu.enqueue_dma source(%dma_start3A_320 : memref<2x8x128xf32, #tpu.memory_space<vmem>>) target(%dma_start3A_316 : memref<2x8x128xf32, #tpu.memory_space<hbm>>) target_semaphore(%arg16 : memref<!tpu.dma_semaphore, #tpu.memory_space<semaphore_mem>>)
      %mul3A_321 = arith.constant 4 : i32
      %mul3A_322 = arith.muli %scan3A_82, %mul3A_321 : i32
      %add3A_323 = arith.constant 3 : i32
      %add3A_324 = arith.addi %mul3A_322, %add3A_323 : i32
      %jit3A_325 = arith.constant 200 : i32
      %eq3A_326 = arith.constant 0 : i32
      %eq3A_327 = arith.cmpi eq, %jit3A_325, %eq3A_326 : i32
      %jit3A_328 = arith.constant 1 : i32
      %select_n3A_329 = arith.select %eq3A_327, %jit3A_328, %jit3A_325 : i32
      %rem3A_330 = arith.remsi %add3A_324, %select_n3A_329 : i32
      %ne3A_331 = arith.constant 0 : i32
      %ne3A_332 = arith.cmpi ne, %rem3A_330, %ne3A_331 : i32
      %lt3A_333 = arith.constant 0 : i32
      %lt3A_334 = arith.cmpi slt, %rem3A_330, %lt3A_333 : i32
      %lt3A_335 = arith.constant 0 : i32
      %lt3A_336 = arith.cmpi slt, %select_n3A_329, %lt3A_335 : i32
      %ne3A_337 = arith.xori %lt3A_334, %lt3A_336 : i1
      %and3A_338 = arith.andi %ne3A_337, %ne3A_332 : i1
      %add3A_339 = arith.addi %rem3A_330, %select_n3A_329 : i32
      %select_n3A_340 = arith.select %and3A_338, %add3A_339, %rem3A_330 : i32
      %jit3A_341 = arith.constant 200 : i32
      %div3A_342 = arith.divsi %add3A_324, %jit3A_341 : i32
      %sign3A_343 = arith.constant 0 : i32
      %sign3A_344 = arith.cmpi sgt, %add3A_324, %sign3A_343 : i32
      %sign3A_345 = arith.extui %sign3A_344 : i1 to i32
      %sign3A_346 = arith.constant 0 : i32
      %sign3A_347 = arith.cmpi slt, %add3A_324, %sign3A_346 : i32
      %sign3A_348 = arith.extui %sign3A_347 : i1 to i32
      %sign3A_349 = arith.subi %sign3A_345, %sign3A_348 : i32
      %sign3A_350 = arith.constant 0 : i32
      %sign3A_351 = arith.cmpi sgt, %jit3A_341, %sign3A_350 : i32
      %sign3A_352 = arith.extui %sign3A_351 : i1 to i32
      %sign3A_353 = arith.constant 0 : i32
      %sign3A_354 = arith.cmpi slt, %jit3A_341, %sign3A_353 : i32
      %sign3A_355 = arith.extui %sign3A_354 : i1 to i32
      %sign3A_356 = arith.subi %sign3A_352, %sign3A_355 : i32
      %ne3A_357 = arith.cmpi ne, %sign3A_349, %sign3A_356 : i32
      %rem3A_358 = arith.remsi %add3A_324, %jit3A_341 : i32
      %ne3A_359 = arith.constant 0 : i32
      %ne3A_360 = arith.cmpi ne, %rem3A_358, %ne3A_359 : i32
      %and3A_361 = arith.andi %ne3A_357, %ne3A_360 : i1
      %sub3A_362 = arith.constant 1 : i32
      %sub3A_363 = arith.subi %div3A_342, %sub3A_362 : i32
      %select_n3A_364 = arith.select %and3A_361, %sub3A_363, %div3A_342 : i32
      %add3A_365 = arith.addi %mul3A_2, %select_n3A_364 : i32
      %dma_wait3A_366 = arith.constant 0 : i32
      %dma_wait3A_367 = arith.constant 0 : i32
      %dma_wait3A_368 = tpu.memref_slice %arg2[%dma_wait3A_366, %dma_wait3A_367] : memref<1000000x16xf32, #tpu.memory_space<hbm>> -> memref<128x16xf32, #tpu.memory_space<hbm>>
      %dma_wait3A_369 = arith.constant 0 : i32
      %dma_wait3A_370 = arith.constant 0 : i32
      %dma_wait3A_371 = tpu.memref_slice %arg2[%dma_wait3A_369, %dma_wait3A_370] : memref<1000000x16xf32, #tpu.memory_space<hbm>> -> memref<128x16xf32, #tpu.memory_space<hbm>>
      tpu.wait_dma2 semaphore(%arg15 : memref<!tpu.dma_semaphore, #tpu.memory_space<semaphore_mem>>) src(%dma_wait3A_371 : memref<128x16xf32, #tpu.memory_space<hbm>>) dst(%arg9 : memref<128x16xf32, #tpu.memory_space<vmem>>)
      %ge3A_372 = arith.constant 2 : i32
      %ge3A_373 = arith.cmpi sge, %add3A_324, %ge3A_372 : i32
      %convert_element_type3A_374 = arith.extui %ge3A_373 : i1 to i32
      %cond3A_375 = arith.constant 0 : i32
      %cond3A_376 = arith.cmpi ne, %convert_element_type3A_374, %cond3A_375 : i32
      scf.if %cond3A_376 {
        %dma_wait3A_405 = arith.constant 0 : i32
        %dma_wait3A_406 = arith.constant 0 : i32
        %dma_wait3A_407 = arith.constant 0 : i32
        %dma_wait3A_408 = arith.constant 0 : i32
        %dma_wait3A_409 = arith.constant 0 : i32
        %dma_wait3A_410 = tpu.memref_slice %arg11[%dma_wait3A_407, %dma_wait3A_408, %dma_wait3A_409] : memref<2x8x129xf32, #tpu.memory_space<vmem>> -> memref<2x8x128xf32, #tpu.memory_space<vmem>>
        %dma_wait3A_411 = arith.constant 0 : i32
        %dma_wait3A_412 = arith.constant 0 : i32
        %dma_wait3A_413 = arith.constant 0 : i32
        %dma_wait3A_414 = tpu.memref_slice %arg4[%dma_wait3A_405, %dma_wait3A_411, %dma_wait3A_406, %dma_wait3A_412, %dma_wait3A_413] : memref<200x2x128x8x128xf32, #tpu.memory_space<hbm>> -> memref<1x2x1x8x128xf32, #tpu.memory_space<hbm>>
        %dma_wait3A_415 = tpu.memref_squeeze %dma_wait3A_414 : memref<1x2x1x8x128xf32, #tpu.memory_space<hbm>> -> memref<2x8x128xf32, #tpu.memory_space<hbm>>
        %dma_wait3A_416 = arith.constant 0 : i32
        %dma_wait3A_417 = arith.constant 0 : i32
        %dma_wait3A_418 = arith.constant 0 : i32
        %dma_wait3A_419 = tpu.memref_slice %arg4[%dma_wait3A_405, %dma_wait3A_416, %dma_wait3A_406, %dma_wait3A_417, %dma_wait3A_418] : memref<200x2x128x8x128xf32, #tpu.memory_space<hbm>> -> memref<1x2x1x8x128xf32, #tpu.memory_space<hbm>>
        %dma_wait3A_420 = tpu.memref_squeeze %dma_wait3A_419 : memref<1x2x1x8x128xf32, #tpu.memory_space<hbm>> -> memref<2x8x128xf32, #tpu.memory_space<hbm>>
        %dma_wait3A_421 = arith.constant 0 : i32
        %dma_wait3A_422 = arith.constant 0 : i32
        %dma_wait3A_423 = arith.constant 0 : i32
        %dma_wait3A_424 = tpu.memref_slice %arg11[%dma_wait3A_421, %dma_wait3A_422, %dma_wait3A_423] : memref<2x8x129xf32, #tpu.memory_space<vmem>> -> memref<2x8x128xf32, #tpu.memory_space<vmem>>
        tpu.wait_dma2 semaphore(%arg17 : memref<!tpu.dma_semaphore, #tpu.memory_space<semaphore_mem>>) src(%dma_wait3A_424 : memref<2x8x128xf32, #tpu.memory_space<vmem>>) dst(%dma_wait3A_420 : memref<2x8x128xf32, #tpu.memory_space<hbm>>)
      } else {
      }
      %parallel_loop3A_377 = arith.constant 0 : i32
      %parallel_loop3A_378 = arith.constant 128 : i32
      %parallel_loop3A_379 = arith.constant 1 : i32
      scf.for %parallel_loop3A_405 = %parallel_loop3A_377 to %parallel_loop3A_378 step %parallel_loop3A_379  : i32 {
        %parallel_loop3A_406 = arith.index_cast %parallel_loop3A_405 : i32 to index
        %parallel_loop3A_407 = arith.constant 0 : index
        %parallel_loop3A_408 = tpu.vector_load %arg9[%parallel_loop3A_406, %parallel_loop3A_407] {strides = array<i32>} : memref<128x16xf32, #tpu.memory_space<vmem>>, vector<16xf32>,
        %parallel_loop3A_409 = arith.constant 8 : i32
        %parallel_loop3A_410 = vector.broadcast %parallel_loop3A_409 : i32 to vector<16xi32>
        %parallel_loop3A_411 = arith.divsi %iota3A, %parallel_loop3A_410 : vector<16xi32>
        %parallel_loop3A_412 = arith.constant 0 : i32
        %parallel_loop3A_413 = vector.broadcast %parallel_loop3A_412 : i32 to vector<16xi32>
        %parallel_loop3A_414 = arith.cmpi sgt, %iota3A, %parallel_loop3A_413 : vector<16xi32>
        %parallel_loop3A_415 = arith.extui %parallel_loop3A_414 : vector<16xi1> to vector<16xi32>
        %parallel_loop3A_416 = arith.constant 0 : i32
        %parallel_loop3A_417 = vector.broadcast %parallel_loop3A_416 : i32 to vector<16xi32>
        %parallel_loop3A_418 = arith.cmpi slt, %iota3A, %parallel_loop3A_417 : vector<16xi32>
        %parallel_loop3A_419 = arith.extui %parallel_loop3A_418 : vector<16xi1> to vector<16xi32>
        %parallel_loop3A_420 = arith.subi %parallel_loop3A_415, %parallel_loop3A_419 : vector<16xi32>
        %parallel_loop3A_421 = arith.constant 0 : i32
        %parallel_loop3A_422 = arith.cmpi sgt, %parallel_loop3A_409, %parallel_loop3A_421 : i32
        %parallel_loop3A_423 = arith.extui %parallel_loop3A_422 : i1 to i32
        %parallel_loop3A_424 = arith.constant 0 : i32
        %parallel_loop3A_425 = arith.cmpi slt, %parallel_loop3A_409, %parallel_loop3A_424 : i32
        %parallel_loop3A_426 = arith.extui %parallel_loop3A_425 : i1 to i32
        %parallel_loop3A_427 = arith.subi %parallel_loop3A_423, %parallel_loop3A_426 : i32
        %parallel_loop3A_428 = vector.broadcast %parallel_loop3A_427 : i32 to vector<16xi32>
        %parallel_loop3A_429 = arith.cmpi ne, %parallel_loop3A_420, %parallel_loop3A_428 : vector<16xi32>
        %parallel_loop3A_430 = vector.broadcast %parallel_loop3A_409 : i32 to vector<16xi32>
        %parallel_loop3A_431 = arith.remsi %iota3A, %parallel_loop3A_430 : vector<16xi32>
        %parallel_loop3A_432 = arith.constant 0 : i32
        %parallel_loop3A_433 = vector.broadcast %parallel_loop3A_432 : i32 to vector<16xi32>
        %parallel_loop3A_434 = arith.cmpi ne, %parallel_loop3A_431, %parallel_loop3A_433 : vector<16xi32>
        %parallel_loop3A_435 = arith.andi %parallel_loop3A_429, %parallel_loop3A_434 : vector<16xi1>
        %parallel_loop3A_436 = arith.constant 1 : i32
        %parallel_loop3A_437 = vector.broadcast %parallel_loop3A_436 : i32 to vector<16xi32>
        %parallel_loop3A_438 = arith.subi %parallel_loop3A_411, %parallel_loop3A_437 : vector<16xi32>
        %parallel_loop3A_439 = arith.select %parallel_loop3A_435, %parallel_loop3A_438, %parallel_loop3A_411 : vector<16xi1>, vector<16xi32>
        %parallel_loop3A_440 = arith.constant 8 : i32
        %parallel_loop3A_441 = arith.constant 0 : i32
        %parallel_loop3A_442 = arith.cmpi eq, %parallel_loop3A_440, %parallel_loop3A_441 : i32
        %parallel_loop3A_443 = arith.constant 1 : i32
        %parallel_loop3A_444 = arith.select %parallel_loop3A_442, %parallel_loop3A_443, %parallel_loop3A_440 : i32
        %parallel_loop3A_445 = vector.broadcast %parallel_loop3A_444 : i32 to vector<16xi32>
        %parallel_loop3A_446 = arith.remsi %iota3A, %parallel_loop3A_445 : vector<16xi32>
        %parallel_loop3A_447 = arith.constant 0 : i32
        %parallel_loop3A_448 = vector.broadcast %parallel_loop3A_447 : i32 to vector<16xi32>
        %parallel_loop3A_449 = arith.cmpi ne, %parallel_loop3A_446, %parallel_loop3A_448 : vector<16xi32>
        %parallel_loop3A_450 = arith.constant 0 : i32
        %parallel_loop3A_451 = vector.broadcast %parallel_loop3A_450 : i32 to vector<16xi32>
        %parallel_loop3A_452 = arith.cmpi slt, %parallel_loop3A_446, %parallel_loop3A_451 : vector<16xi32>
        %parallel_loop3A_453 = arith.constant 0 : i32
        %parallel_loop3A_454 = arith.cmpi slt, %parallel_loop3A_444, %parallel_loop3A_453 : i32
        %parallel_loop3A_455 = vector.broadcast %parallel_loop3A_454 : i1 to vector<16xi1>
        %parallel_loop3A_456 = vector.broadcast %parallel_loop3A_455 : vector<16xi1> to vector<16xi1>
        %parallel_loop3A_457 = arith.xori %parallel_loop3A_452, %parallel_loop3A_456 : vector<16xi1>
        %parallel_loop3A_458 = arith.andi %parallel_loop3A_457, %parallel_loop3A_449 : vector<16xi1>
        %parallel_loop3A_459 = vector.broadcast %parallel_loop3A_444 : i32 to vector<16xi32>
        %parallel_loop3A_460 = arith.addi %parallel_loop3A_446, %parallel_loop3A_459 : vector<16xi32>
        %parallel_loop3A_461 = arith.select %parallel_loop3A_458, %parallel_loop3A_460, %parallel_loop3A_446 : vector<16xi1>, vector<16xi32>
        %parallel_loop3A_462 = vector.broadcast %parallel_loop3A_405 : i32 to vector<16xi32>
        tpu.vector_store_idx %arg11[%parallel_loop3A_439, %parallel_loop3A_461, %parallel_loop3A_462], %parallel_loop3A_408 : memref<2x8x129xf32, #tpu.memory_space<vmem>>[vector<16xi32>, vector<16xi32>, vector<16xi32>], vector<16xf32>,
      } {sc.loop_unroll_factor = 16 : i64, sc.parallel_access}
      %add3A_380 = arith.constant 4 : i32
      %add3A_381 = arith.addi %add3A_324, %add3A_380 : i32
      %lt3A_382 = arith.constant 800 : i32
      %lt3A_383 = arith.cmpi slt, %add3A_381, %lt3A_382 : i32
      %convert_element_type3A_384 = arith.extui %lt3A_383 : i1 to i32
      %cond3A_385 = arith.constant 0 : i32
      %cond3A_386 = arith.cmpi ne, %convert_element_type3A_384, %cond3A_385 : i32
      scf.if %cond3A_386 {
        %add3A_405 = arith.constant 4 : i32
        %add3A_406 = arith.addi %add3A_324, %add3A_405 : i32
        %jit3A_407 = arith.constant 200 : i32
        %eq3A_408 = arith.constant 0 : i32
        %eq3A_409 = arith.cmpi eq, %jit3A_407, %eq3A_408 : i32
        %jit3A_410 = arith.constant 1 : i32
        %select_n3A_411 = arith.select %eq3A_409, %jit3A_410, %jit3A_407 : i32
        %rem3A_412 = arith.remsi %add3A_406, %select_n3A_411 : i32
        %ne3A_413 = arith.constant 0 : i32
        %ne3A_414 = arith.cmpi ne, %rem3A_412, %ne3A_413 : i32
        %lt3A_415 = arith.constant 0 : i32
        %lt3A_416 = arith.cmpi slt, %rem3A_412, %lt3A_415 : i32
        %lt3A_417 = arith.constant 0 : i32
        %lt3A_418 = arith.cmpi slt, %select_n3A_411, %lt3A_417 : i32
        %ne3A_419 = arith.xori %lt3A_416, %lt3A_418 : i1
        %and3A_420 = arith.andi %ne3A_419, %ne3A_414 : i1
        %add3A_421 = arith.addi %rem3A_412, %select_n3A_411 : i32
        %select_n3A_422 = arith.select %and3A_420, %add3A_421, %rem3A_412 : i32
        %jit3A_423 = arith.constant 200 : i32
        %div3A_424 = arith.divsi %add3A_406, %jit3A_423 : i32
        %sign3A_425 = arith.constant 0 : i32
        %sign3A_426 = arith.cmpi sgt, %add3A_406, %sign3A_425 : i32
        %sign3A_427 = arith.extui %sign3A_426 : i1 to i32
        %sign3A_428 = arith.constant 0 : i32
        %sign3A_429 = arith.cmpi slt, %add3A_406, %sign3A_428 : i32
        %sign3A_430 = arith.extui %sign3A_429 : i1 to i32
        %sign3A_431 = arith.subi %sign3A_427, %sign3A_430 : i32
        %sign3A_432 = arith.constant 0 : i32
        %sign3A_433 = arith.cmpi sgt, %jit3A_423, %sign3A_432 : i32
        %sign3A_434 = arith.extui %sign3A_433 : i1 to i32
        %sign3A_435 = arith.constant 0 : i32
        %sign3A_436 = arith.cmpi slt, %jit3A_423, %sign3A_435 : i32
        %sign3A_437 = arith.extui %sign3A_436 : i1 to i32
        %sign3A_438 = arith.subi %sign3A_434, %sign3A_437 : i32
        %ne3A_439 = arith.cmpi ne, %sign3A_431, %sign3A_438 : i32
        %rem3A_440 = arith.remsi %add3A_406, %jit3A_423 : i32
        %ne3A_441 = arith.constant 0 : i32
        %ne3A_442 = arith.cmpi ne, %rem3A_440, %ne3A_441 : i32
        %and3A_443 = arith.andi %ne3A_439, %ne3A_442 : i1
        %sub3A_444 = arith.constant 1 : i32
        %sub3A_445 = arith.subi %div3A_424, %sub3A_444 : i32
        %select_n3A_446 = arith.select %and3A_443, %sub3A_445, %div3A_424 : i32
        %jit3A_447 = arith.constant 8 : i32
        %div3A_448 = arith.divsi %select_n3A_422, %jit3A_447 : i32
        %sign3A_449 = arith.constant 0 : i32
        %sign3A_450 = arith.cmpi sgt, %select_n3A_422, %sign3A_449 : i32
        %sign3A_451 = arith.extui %sign3A_450 : i1 to i32
        %sign3A_452 = arith.constant 0 : i32
        %sign3A_453 = arith.cmpi slt, %select_n3A_422, %sign3A_452 : i32
        %sign3A_454 = arith.extui %sign3A_453 : i1 to i32
        %sign3A_455 = arith.subi %sign3A_451, %sign3A_454 : i32
        %sign3A_456 = arith.constant 0 : i32
        %sign3A_457 = arith.cmpi sgt, %jit3A_447, %sign3A_456 : i32
        %sign3A_458 = arith.extui %sign3A_457 : i1 to i32
        %sign3A_459 = arith.constant 0 : i32
        %sign3A_460 = arith.cmpi slt, %jit3A_447, %sign3A_459 : i32
        %sign3A_461 = arith.extui %sign3A_460 : i1 to i32
        %sign3A_462 = arith.subi %sign3A_458, %sign3A_461 : i32
        %ne3A_463 = arith.cmpi ne, %sign3A_455, %sign3A_462 : i32
        %rem3A_464 = arith.remsi %select_n3A_422, %jit3A_447 : i32
        %ne3A_465 = arith.constant 0 : i32
        %ne3A_466 = arith.cmpi ne, %rem3A_464, %ne3A_465 : i32
        %and3A_467 = arith.andi %ne3A_463, %ne3A_466 : i1
        %sub3A_468 = arith.constant 1 : i32
        %sub3A_469 = arith.subi %div3A_448, %sub3A_468 : i32
        %select_n3A_470 = arith.select %and3A_467, %sub3A_469, %div3A_448 : i32
        %jit3A_471 = arith.constant 8 : i32
        %eq3A_472 = arith.constant 0 : i32
        %eq3A_473 = arith.cmpi eq, %jit3A_471, %eq3A_472 : i32
        %jit3A_474 = arith.constant 1 : i32
        %select_n3A_475 = arith.select %eq3A_473, %jit3A_474, %jit3A_471 : i32
        %rem3A_476 = arith.remsi %select_n3A_422, %select_n3A_475 : i32
        %ne3A_477 = arith.constant 0 : i32
        %ne3A_478 = arith.cmpi ne, %rem3A_476, %ne3A_477 : i32
        %lt3A_479 = arith.constant 0 : i32
        %lt3A_480 = arith.cmpi slt, %rem3A_476, %lt3A_479 : i32
        %lt3A_481 = arith.constant 0 : i32
        %lt3A_482 = arith.cmpi slt, %select_n3A_475, %lt3A_481 : i32
        %ne3A_483 = arith.xori %lt3A_480, %lt3A_482 : i1
        %and3A_484 = arith.andi %ne3A_483, %ne3A_478 : i1
        %add3A_485 = arith.addi %rem3A_476, %select_n3A_475 : i32
        %select_n3A_486 = arith.select %and3A_484, %add3A_485, %rem3A_476 : i32
        %dma_start3A_487 = arith.constant 0 : i32
        %dma_start3A_488 = tpu.memref_slice %arg5[%select_n3A_470, %select_n3A_446, %select_n3A_486, %dma_start3A_487] : memref<25x4x8x128xi32, #tpu.memory_space<vmem>> -> memref<1x1x1x128xi32, #tpu.memory_space<vmem>>
        %dma_start3A_489 = tpu.memref_squeeze %dma_start3A_488 : memref<1x1x1x128xi32, #tpu.memory_space<vmem>> -> memref<128xi32, #tpu.memory_space<vmem>>
        %dma_start3A_490 = arith.constant 0 : i32
        %dma_start3A_491 = arith.constant 0 : i32
        %dma_start3A_492 = tpu.memref_slice %arg2[%dma_start3A_490, %dma_start3A_491] : memref<1000000x16xf32, #tpu.memory_space<hbm>> -> memref<1000000x16xf32, #tpu.memory_space<hbm>>
        tpu.enqueue_indirect_dma source(%dma_start3A_492 : memref<1000000x16xf32, #tpu.memory_space<hbm>>) target(%arg9 : memref<128x16xf32, #tpu.memory_space<vmem>>) offsets(%dma_start3A_489 : memref<128xi32, #tpu.memory_space<vmem>>) semaphore(%arg15 : memref<!tpu.dma_semaphore, #tpu.memory_space<semaphore_mem>>)
      } else {
      }
      %dma_start3A_387 = arith.constant 0 : i32
      %dma_start3A_388 = arith.constant 0 : i32
      %dma_start3A_389 = arith.constant 0 : i32
      %dma_start3A_390 = tpu.memref_slice %arg11[%dma_start3A_387, %dma_start3A_388, %dma_start3A_389] : memref<2x8x129xf32, #tpu.memory_space<vmem>> -> memref<2x8x128xf32, #tpu.memory_space<vmem>>
      %dma_start3A_391 = arith.constant 0 : i32
      %dma_start3A_392 = arith.constant 0 : i32
      %dma_start3A_393 = arith.constant 0 : i32
      %dma_start3A_394 = tpu.memref_slice %arg4[%select_n3A_340, %dma_start3A_391, %add3A_365, %dma_start3A_392, %dma_start3A_393] : memref<200x2x128x8x128xf32, #tpu.memory_space<hbm>> -> memref<1x2x1x8x128xf32, #tpu.memory_space<hbm>>
      %dma_start3A_395 = tpu.memref_squeeze %dma_start3A_394 : memref<1x2x1x8x128xf32, #tpu.memory_space<hbm>> -> memref<2x8x128xf32, #tpu.memory_space<hbm>>
      %dma_start3A_396 = arith.constant 0 : i32
      %dma_start3A_397 = arith.constant 0 : i32
      %dma_start3A_398 = arith.constant 0 : i32
      %dma_start3A_399 = tpu.memref_slice %arg4[%select_n3A_340, %dma_start3A_396, %add3A_365, %dma_start3A_397, %dma_start3A_398] : memref<200x2x128x8x128xf32, #tpu.memory_space<hbm>> -> memref<1x2x1x8x128xf32, #tpu.memory_space<hbm>>
      %dma_start3A_400 = tpu.memref_squeeze %dma_start3A_399 : memref<1x2x1x8x128xf32, #tpu.memory_space<hbm>> -> memref<2x8x128xf32, #tpu.memory_space<hbm>>
      %dma_start3A_401 = arith.constant 0 : i32
      %dma_start3A_402 = arith.constant 0 : i32
      %dma_start3A_403 = arith.constant 0 : i32
      %dma_start3A_404 = tpu.memref_slice %arg11[%dma_start3A_401, %dma_start3A_402, %dma_start3A_403] : memref<2x8x129xf32, #tpu.memory_space<vmem>> -> memref<2x8x128xf32, #tpu.memory_space<vmem>>
      tpu.enqueue_dma source(%dma_start3A_404 : memref<2x8x128xf32, #tpu.memory_space<vmem>>) target(%dma_start3A_400 : memref<2x8x128xf32, #tpu.memory_space<hbm>>) target_semaphore(%arg17 : memref<!tpu.dma_semaphore, #tpu.memory_space<semaphore_mem>>)
    }
    %scan3A_42 = arith.constant 200 : i32
    %dma_wait3A = arith.constant 0 : i32
    %dma_wait3A_43 = arith.constant 0 : i32
    %dma_wait3A_44 = arith.constant 0 : i32
    %dma_wait3A_45 = arith.constant 0 : i32
    %dma_wait3A_46 = arith.constant 0 : i32
    %dma_wait3A_47 = tpu.memref_slice %arg10[%dma_wait3A_44, %dma_wait3A_45, %dma_wait3A_46] : memref<2x8x129xf32, #tpu.memory_space<vmem>> -> memref<2x8x128xf32, #tpu.memory_space<vmem>>
    %dma_wait3A_48 = arith.constant 0 : i32
    %dma_wait3A_49 = arith.constant 0 : i32
    %dma_wait3A_50 = arith.constant 0 : i32
    %dma_wait3A_51 = tpu.memref_slice %arg4[%dma_wait3A, %dma_wait3A_48, %dma_wait3A_43, %dma_wait3A_49, %dma_wait3A_50] : memref<200x2x128x8x128xf32, #tpu.memory_space<hbm>> -> memref<1x2x1x8x128xf32, #tpu.memory_space<hbm>>
    %dma_wait3A_52 = tpu.memref_squeeze %dma_wait3A_51 : memref<1x2x1x8x128xf32, #tpu.memory_space<hbm>> -> memref<2x8x128xf32, #tpu.memory_space<hbm>>
    %dma_wait3A_53 = arith.constant 0 : i32
    %dma_wait3A_54 = arith.constant 0 : i32
    %dma_wait3A_55 = arith.constant 0 : i32
    %dma_wait3A_56 = tpu.memref_slice %arg4[%dma_wait3A, %dma_wait3A_53, %dma_wait3A_43, %dma_wait3A_54, %dma_wait3A_55] : memref<200x2x128x8x128xf32, #tpu.memory_space<hbm>> -> memref<1x2x1x8x128xf32, #tpu.memory_space<hbm>>
    %dma_wait3A_57 = tpu.memref_squeeze %dma_wait3A_56 : memref<1x2x1x8x128xf32, #tpu.memory_space<hbm>> -> memref<2x8x128xf32, #tpu.memory_space<hbm>>
    %dma_wait3A_58 = arith.constant 0 : i32
    %dma_wait3A_59 = arith.constant 0 : i32
    %dma_wait3A_60 = arith.constant 0 : i32
    %dma_wait3A_61 = tpu.memref_slice %arg10[%dma_wait3A_58, %dma_wait3A_59, %dma_wait3A_60] : memref<2x8x129xf32, #tpu.memory_space<vmem>> -> memref<2x8x128xf32, #tpu.memory_space<vmem>>
    tpu.wait_dma2 semaphore(%arg16 : memref<!tpu.dma_semaphore, #tpu.memory_space<semaphore_mem>>) src(%dma_wait3A_61 : memref<2x8x128xf32, #tpu.memory_space<vmem>>) dst(%dma_wait3A_57 : memref<2x8x128xf32, #tpu.memory_space<hbm>>)
    %dma_wait3A_62 = arith.constant 0 : i32
    %dma_wait3A_63 = arith.constant 0 : i32
    %dma_wait3A_64 = arith.constant 0 : i32
    %dma_wait3A_65 = arith.constant 0 : i32
    %dma_wait3A_66 = arith.constant 0 : i32
    %dma_wait3A_67 = tpu.memref_slice %arg11[%dma_wait3A_64, %dma_wait3A_65, %dma_wait3A_66] : memref<2x8x129xf32, #tpu.memory_space<vmem>> -> memref<2x8x128xf32, #tpu.memory_space<vmem>>
    %dma_wait3A_68 = arith.constant 0 : i32
    %dma_wait3A_69 = arith.constant 0 : i32
    %dma_wait3A_70 = arith.constant 0 : i32
    %dma_wait3A_71 = tpu.memref_slice %arg4[%dma_wait3A_62, %dma_wait3A_68, %dma_wait3A_63, %dma_wait3A_69, %dma_wait3A_70] : memref<200x2x128x8x128xf32, #tpu.memory_space<hbm>> -> memref<1x2x1x8x128xf32, #tpu.memory_space<hbm>>
    %dma_wait3A_72 = tpu.memref_squeeze %dma_wait3A_71 : memref<1x2x1x8x128xf32, #tpu.memory_space<hbm>> -> memref<2x8x128xf32, #tpu.memory_space<hbm>>
    %dma_wait3A_73 = arith.constant 0 : i32
    %dma_wait3A_74 = arith.constant 0 : i32
    %dma_wait3A_75 = arith.constant 0 : i32
    %dma_wait3A_76 = tpu.memref_slice %arg4[%dma_wait3A_62, %dma_wait3A_73, %dma_wait3A_63, %dma_wait3A_74, %dma_wait3A_75] : memref<200x2x128x8x128xf32, #tpu.memory_space<hbm>> -> memref<1x2x1x8x128xf32, #tpu.memory_space<hbm>>
    %dma_wait3A_77 = tpu.memref_squeeze %dma_wait3A_76 : memref<1x2x1x8x128xf32, #tpu.memory_space<hbm>> -> memref<2x8x128xf32, #tpu.memory_space<hbm>>
    %dma_wait3A_78 = arith.constant 0 : i32
    %dma_wait3A_79 = arith.constant 0 : i32
    %dma_wait3A_80 = arith.constant 0 : i32
    %dma_wait3A_81 = tpu.memref_slice %arg11[%dma_wait3A_78, %dma_wait3A_79, %dma_wait3A_80] : memref<2x8x129xf32, #tpu.memory_space<vmem>> -> memref<2x8x128xf32, #tpu.memory_space<vmem>>
    tpu.wait_dma2 semaphore(%arg17 : memref<!tpu.dma_semaphore, #tpu.memory_space<semaphore_mem>>) src(%dma_wait3A_81 : memref<2x8x128xf32, #tpu.memory_space<vmem>>) dst(%dma_wait3A_77 : memref<2x8x128xf32, #tpu.memory_space<hbm>>)
    return
  }
}

</mosaic_0001>

<sc_bundles>
// kernel: kernel.3.cloned.1.call-start
scs
__scs_entry_jumppad:
0x0: {  	(pc) =	sbr.rel $0x88, $3  }
0x1: {  	(tag) =	ssettag $0x0;
	lr =	simm.s32 $0x1  }
0x2: {  	[smem:$0x3F9F] =	sst lr;
	_ =	strace $0xD0000000  }
0x3: {  	_ = 	snop  }
0x4: {  	_ = 	snop  }
0x5: {  	_ = 	snop  }
0x6: {  	_ = 	snop  }
0x7: {  	_ = 	snop  }
__scs_overlays_trampoline_lowered:
0x8: {  	[smem:$0x3FAE] =	sst s0  }
0x9: {  	[smem:$0x3FAF] =	sst s1  }
0xa: {  	[smem:$0x3FB0] =	sst s2  }
0xb: {  	[smem:$0x3FB1] =	sst s3  }
0xc: {  	[smem:$0x3FB2] =	sst s4  }
0xd: {  	[smem:$0x3FB3] =	sst s5  }
0xe: {  	[smem:$0x3FB4] =	sst s6  }
0xf: {  	[smem:$0x3FB5] =	sst s7  }
0x10: {  	[smem:$0x3FB6] =	sst s8  }
0x11: {  	[smem:$0x3FB7] =	sst s9;
	s0 =	simm.s32 @!p0 $0x0  }
0x12: {  	s1 =	sld [smem:$0x3F9D];
	s0 =	simm.s32 @p0 $0x1  }
0x13: {  	[smem:$0x3FB8] =	sst s0;
	s0 =	simm.s32 @!p1 $0x0  }
0x14: {  	s2 =	sld [smem:$0x3F9C];
	s0 =	simm.s32 @p1 $0x1  }
0x15: {  	[smem:$0x3FB9] =	sst s0;
	s0 =	simm.s32 @!p2 $0x0  }
0x16: {  	s3 =	sld [smem:$0x3FDB];
	s0 =	simm.s32 @p2 $0x1  }
0x17: {  	s4 =	simm.s32 $0x1BF5;
	[smem:$0x3FBB] =	sst s0  }
0x18: {  	s0 =	sld [smem:$0x3F9E];
	_ =	swait.ge [sflag:s4], $0x0  }
0x19: {  	s7 =	sld [smem:$0x3F9F]  }
0x1a: {  	s8 =	sadd.s32 $0xFFFFE003, lr  }
0x1b: {  	s9 =	sadd.s32 $0xFFFFFEF7, lr;
	s5 =	simm.s32 $0xFFFFFFFF;
	p2 =	slt.u32 s8, $0xFFFFF086  }
0x1c: {  	p1 =	slt.u32 s9, $0xF7A;
	s5 =	simm.s32 @!p2 $0x0  }
0x1d: {  	s5 =	simm.s32 @p1 $0x1;
	p0 =	seq.s32 s7, s2  }
0x1e: {  	s7 =	smul.u32 @!p0 $0xF7A, s2;
	p2 =	seq.s32 @!p0 s5, $0x0  }
0x1f: {  	s9 =	smul.u32 $0xF7A, s1;
	s8 =	simm.s32 @!p0 $0x1BF5;
	p2 =	por !p2, p0  }
0x20: {  	[sflag:s8] =	ssyncset.s32 @!p0 $0xFFFFF086;
	s6 =	sadd.s32 @!p0 s3, s7;
	s7 =	simm.s32 @!p0 $0x108  }
0x21: {  	s3 =	sadd.s32 s3, s9;
	s6 =	sadd.s32 @!p0 $0x88, s6;
	s7 =	simm.s32 @p2 $0x1082  }
0x22: {  	[simem:s7], [sflag:s8] =	dma.local @!p0 [hbm:s6], $0xF7A  }
0x23: {  	s9 =	sor.u32 $0xD0000000, s2;
	s6 =	simm.s32 $0x108;
	_ =	swait.ge @!p0 [sflag:s8], $0x0  }
0x24: {  	s3 =	sadd.s32 $0x88, s3;
	s6 =	simm.s32 @!p1 $0x1082;
	[sflag:s4] =	ssyncset.s32 $0xFFFFF086  }
0x25: {  	[simem:s6], [sflag:s4] =	dma.local [hbm:s3], $0xF7A  }
0x26: {  	[smem:$0x3F9F] =	sst s1;
	(tag) =	ssettag s2;
	_ =	strace s9  }
0x27: {  	s1 =	sld [smem:$0x3FAF]  }
0x28: {  	s2 =	sld [smem:$0x3FB0]  }
0x29: {  	s4 =	sld [smem:$0x3FB2]  }
0x2a: {  	p0 =	seq.s32 s5, $0x0;
	s5 =	sld [smem:$0x3FB3]  }
0x2b: {  	s6 =	sld [smem:$0x3FB4]  }
0x2c: {  	s7 =	sld [smem:$0x3FB5]  }
0x2d: {  	s3 =	simm.s32 $0x108;
	s8 =	sld [smem:$0x3FB6]  }
0x2e: {  	s3 =	simm.s32 @!p0 $0x1082;
	s9 =	sld [smem:$0x3FB7]  }
0x2f: {  	lr =	sadd.s32 s0, s3;
	s0 =	sld [smem:$0x3FAE]  }
0x30: {  	s3 =	sld [smem:$0x3FB1]  }
0x31: {  	[smem:$0x3FBA] =	sst s10  }
0x32: {  	s10 =	sld [smem:$0x3FB8];
	_ =	sdelay $0x3  }
0x33: {  	p0 =	seq.s32 s10, $0x1;
	s10 =	sld [smem:$0x3FBA];
	_ =	sdelay $0x3  }
0x34: {  	[smem:$0x3FBA] =	sst s10  }
0x35: {  	s10 =	sld [smem:$0x3FB9];
	_ =	sdelay $0x3  }
0x36: {  	p1 =	seq.s32 s10, $0x1;
	s10 =	sld [smem:$0x3FBA];
	_ =	sdelay $0x3  }
0x37: {  	[smem:$0x3FBA] =	sst s10  }
0x38: {  	s10 =	sld [smem:$0x3FBB]  }
0x39: {  	_ = 	snop;
	(pc) =	sbr.ind lr, $3  }
0x3a: {  	_ = 	snop  }
0x3b: {  	_ = 	snop  }
0x3c: {  	p2 =	seq.s32 s10, $0x1;
	s10 =	sld [smem:$0x3FBA]  }
0x3d: {  	_ =	shalt  }
0x3e: {  	_ =	shalt  }
0x3f: {  	_ =	shalt  }
0x40: {  	_ =	shalt  }
0x41: {  	_ =	shalt  }
0x42: {  	_ =	shalt  }
0x43: {  	_ =	shalt  }
0x44: {  	_ =	shalt  }
0x45: {  	_ =	shalt  }
0x46: {  	_ =	shalt  }
0x47: {  	_ =	shalt  }
0x48: {  	_ =	shalt  }
0x49: {  	_ =	shalt  }
0x4a: {  	_ =	shalt  }
0x4b: {  	_ =	shalt  }
0x4c: {  	_ =	shalt  }
0x4d: {  	_ =	shalt  }
0x4e: {  	_ =	shalt  }
0x4f: {  	_ =	shalt  }
0x50: {  	_ =	shalt  }
0x51: {  	_ =	shalt  }
0x52: {  	_ =	shalt  }
0x53: {  	_ =	shalt  }
0x54: {  	_ =	shalt  }
0x55: {  	_ =	shalt  }
0x56: {  	_ =	shalt  }
0x57: {  	_ =	shalt  }
0x58: {  	_ =	shalt  }
0x59: {  	_ =	shalt  }
0x5a: {  	_ =	shalt  }
0x5b: {  	_ =	shalt  }
0x5c: {  	_ =	shalt  }
0x5d: {  	_ =	shalt  }
0x5e: {  	_ =	shalt  }
0x5f: {  	_ =	shalt  }
0x60: {  	_ =	shalt  }
0x61: {  	_ =	shalt  }
0x62: {  	_ =	shalt  }
0x63: {  	_ =	shalt  }
0x64: {  	_ =	shalt  }
0x65: {  	_ =	shalt  }
0x66: {  	_ =	shalt  }
0x67: {  	_ =	shalt  }
0x68: {  	_ =	shalt  }
0x69: {  	_ =	shalt  }
0x6a: {  	_ =	shalt  }
0x6b: {  	_ =	shalt  }
0x6c: {  	_ =	shalt  }
0x6d: {  	_ =	shalt  }
0x6e: {  	_ =	shalt  }
0x6f: {  	_ =	shalt  }
0x70: {  	_ =	shalt  }
0x71: {  	_ =	shalt  }
0x72: {  	_ =	shalt  }
0x73: {  	_ =	shalt  }
0x74: {  	_ =	shalt  }
0x75: {  	_ =	shalt  }
0x76: {  	_ =	shalt  }
0x77: {  	_ =	shalt  }
0x78: {  	_ =	shalt  }
0x79: {  	_ =	shalt  }
0x7a: {  	_ =	shalt  }
0x7b: {  	_ =	shalt  }
0x7c: {  	_ =	shalt  }
0x7d: {  	_ =	shalt  }
0x7e: {  	_ =	shalt  }
0x7f: {  	_ =	shalt  }
0x80: {  	_ =	shalt  }
0x81: {  	_ =	shalt  }
0x82: {  	_ =	shalt  }
0x83: {  	_ =	shalt  }
0x84: {  	_ =	shalt  }
0x85: {  	_ =	shalt  }
0x86: {  	_ =	shalt  }
0x87: {  	_ =	shalt  }
.Lfunc_end0:
.L_simem_size_0:
called_computation_lowered:
.L_overlay_start_0:
0x88: {  	s2 =	sld [smem:$0x3FD9]  }
0x89: {  	s3 =	sld [smem:$0x3FFE];
	_ =	sdelay $0x1  }
0x8a: {  	s1 =	srdreg.scid  }
0x8b: {  	s0 =	sand.u32 $0x1, s1  }
0x8c: {  	s17 =	sshll.u32 s0, $0xA;
	s2 =	sadd.s32 s3, s2  }
0x8d: {  	s2 =	sadd.s32 s2, s17  }
0x8e: {  	[smem:$0x3FC6] =	sst s2  }
0x8f: {  	_ = 	snop  }
0x90: {  	s2 =	sld [smem:$0x3FC8]  }
0x91: {  	s18 =	sld [smem:$0x3FD0];
	(tm) =	ssettm $0x1  }
0x92: {  	s4 =	sld [smem:$0x3FFB];
	_ =	sdelay $0x3  }
0x93: {  	_ =	strace s4  }
0x94: {  	s4 =	sld [smem:$0x3FFC];
	_ =	sdelay $0x3  }
0x95: {  	_ =	strace s4  }
0x96: {  	s4 =	sld [smem:$0x3FFD];
	_ =	sdelay $0x3  }
0x97: {  	_ =	strace s4  }
0x98: {  	_ =	strace $0x8FFFFFFF  }
0x99: {  	s19 =	sld [smem:$0x3FDB];
	_ =	sdelay $0x1  }
0x9a: {  	s5 =	simm.s32 $_scs_section_size  }
0x9b: {  	s6 =	simm.s32 $_size__tile_overlayer_lowered;
	s7 =	simm.s32 $_tile_overlayer_lowered  }
0x9c: {  	s22 =	simm.s32 $0x1BFF;
	s21 =	sshll.u32 s7, $0x1;
	s4 =	sadd.s32 s5, s19  }
0x9d: {  	s8 =	simm.s32 $0x0;
	s20 =	sshll.u32 s6, $0x1;
	s6 =	sadd.s32 s21, s4  }
0x9e: {  	[timem:s8], [sflag:s22] =	dma.local [hbm:s6], s20  }
0x9f: {  	_ =	swait.ge [sflag:s22], s20  }
0xa0: {  	s5 =	ssub.s32 $0x0, s20;
	[sflag:s22] =	ssyncset.done $0x0  }
0xa1: {  	[sflag:s22] =	ssyncadd.s32 s5;
	_ =	sdelay $0x1  }
0xa2: {  	s23 =	simm.s32 $0x1B8B  }
0xa3: {  	_ =	swait.ge [sflag:s23], $0x1  }
0xa4: {  	[sflag:s23] =	ssyncset.done $0x0  }
0xa5: {  	s25 =	simm.s32 $0x1B8E;
	s24 =	sld [smem:$0x3FFE];
	[sflag:s23] =	ssyncadd.s32 $0xFFFFFFFF  }
0xa6: {  	s26 =	simm.s32 $execute0_lowered;
	[smem:$0x3FD2] =	sst s25  }
0xa7: {  	s6 =	sshll.u32 s26, $0x1;
	_ =	strace $0x80000046;
	[dreg:$0x1] =	wrdreg $0xFFFFFFFF  }
0xa8: {  	s28 =	simm.s32 $_size_execute0_lowered;
	s4 =	sadd.s32 s4, s6;
	[dreg:$0x0] =	wrdreg $0x0  }
0xa9: {  	s6 =	sshll.u32 s28, $0x1;
	[dreg:$0x2] =	wrdreg s4  }
0xaa: {  	[dreg:$0x3] =	wrdreg s6  }
0xab: {  	[dreg:$0x4] =	wrdreg $0xC0  }
0xac: {  	_ =	task [dreg:s8], $0x5FFFF  }
0xad: {  	[dreg:$0x1] =	wrdreg $0xFFFFFFFF  }
0xae: {  	[dreg:$0x0] =	wrdreg $0x60  }
0xaf: {  	[dreg:$0x2] =	wrdreg s24  }
0xb0: {  	[dreg:$0x3] =	wrdreg s2  }
0xb1: {  	[dreg:$0x4] =	wrdreg s18  }
0xb2: {  	[dreg:$0x5] =	wrdreg $0x9  }
0xb3: {  	_ =	task.clear_ibuf [dreg:s8], $0x6FFFF;
	_ =	strace $0x90000046  }
0xb4: {  	s29 =	simm.s32 $0x9;
	_ =	strace $0x80000048  }
0xb5: {  	_ =	swait.ge [sflag:s29], $0x1  }
0xb6: {  	[sflag:s29] =	ssyncadd.s32 $0xFFFFFFFF  }
0xb7: {  	_ =	strace $0x90000048  }
0xb8: {  	_ =	sfence  }
0xb9: {  	s30 =	sld [smem:$0x0];
	_ =	sdelay $0x2  }
0xba: {  	s31 =	sshll.u32 s1, $0xD;
	s1 =	sshrl.u32 s1, $0x2  }
0xbb: {  	s3 =	sand.u32 $0x4000, s31;
	s1 =	sadd.s32 s1, s30  }
0xbc: {  	s0 =	sor.u32 s3, s0;
	s1 =	sshll.u32 s1, $0x11  }
0xbd: {  	s0 =	sor.u32 s1, s0  }
0xbe: {  	s0 =	sadd.s32 $0x8F2B, s0  }
0xbf: {  	[sflag:s0] =	ssyncadd.remote.s32 $0x1  }
0xc0: {  	_ =	sfence.sel $0xFFFF  }
0xc1: {  	[dreg:$0x0] =	wrdreg $0xFFFFFFFF;
	(pc) =	sbr.abs _section_cstart, $3  }
0xc2: {  	[dreg:$0x1] =	wrdreg $0xFFFFFFFF  }
0xc3: {  	_ =	task.clear_ibuf [dreg:s8], $0x2FFFF;
	_ =	strace $0x9FFFFFFF  }
0xc4: {  	(tm) =	ssettm $0x7FFFFFFF  }
0xc5: {  	_ =	shalt  }
tec
execute0_lowered:
.L_overlay_start_1:
0x0: {  	(tag) =	ssettag $0x1  }
0x1: {  	s0 =	rddreg [dreg:$0x0]  }
0x2: {  	s2 =	rddreg [dreg:$0x1]  }
0x3: {  	s1 =	rddreg [dreg:$0x2]  }
0x4: {  	s3 =	simm.s32 $0x0;
	s4 =	srdreg.scid;
	s5 =	stileid.u32  }
0x5: {  	s18 =	simm.s32 $0x1;
	s19 =	simm.s32 $0x1B000;
	s12 =	simm.s32 $0x2  }
0x6: {  	s13 =	simm.s32 $0x1B880;
	s10 =	simm.s32 $0x1BC38;
	s11 =	simm.s32 $0x1BCC0  }
0x7: {  	s20 =	simm.s32 $0x1BDD0;
	s21 =	simm.s32 $0x1BE58;
	s22 =	simm.s32 $0x1BEE0  }
0x8: {  	s23 =	simm.s32 $0x1BF68;
	s24 =	simm.s32 $0x1BFF0;
	s25 =	simm.s32 $0x1C078  }
0x9: {  	s26 =	simm.s32 $0x3;
	s28 =	simm.s32 $0x5;
	s29 =	simm.s32 $0x4  }
0xa: {  	s30 =	simm.s32 $0x6;
	[smem:$0x7FF] =	sst s3;
	s4 =	sand.u32 $0x1, s4  }
0xb: {  	v0 =	vlaneseq.u32;
	s5 =	sshll.u32 s5, $0x3;
	s6 =	ssub.s32 $0x2, s4;
	s4 =	sshll.u32 s4, $0x2  }
0xc: {  	v0 =	vmul.u32 $0x88, v0;
	_ =	strace $0x80000047;
	s7 =	sshrl.u32 s6, $0x1;
	s4 =	sor.u32 s4, s5  }
0xd: {  	v1 =	vimm.s32 $0x0;
	vm0 =	vcmask $0x300;
	s5 =	sadd.s32 $0xF42800, s0;
	[dreg:$0x4] =	wrdreg s4;
	s4 =	sshll.u32 s4, $0x7  }
0xe: {  	v1 =	vsel vm0, $0x3, v1;
	v2 =	vor.u32 $0x1, v0;
	s31 =	ssub.s32 s6, s7;
	s6 =	simm.s32 $0x1BB28;
	s2 =	sadd.s32 s2, s4  }
0xf: {  	v3 =	vor.u32 $0x2, v0;
	v4 =	vor.u32 $0x3, v0;
	v5 =	vor.u32 $0x4, v0;
	s7 =	simm.s32 $0x1BBB0;
	s0 =	smax.u32 s31, $0x1;
	[dreg:$0x5] =	wrdreg s2  }
0x10: {  	v6 =	vor.u32 $0x5, v0;
	v7 =	vor.u32 $0x6, v0;
	v8 =	vor.u32 $0x7, v0;
	s4 =	simm.s32 $0x1BD48;
	[dreg:$0x6] =	wrdreg s0;
	s2 =	simm.s32 $0x0  }
.LBB2_1:
0x11: {  	[dreg:$0x7] =	wrdreg s2  }
0x12: {  	s0 =	rddreg [dreg:$0x5]  }
0x13: {  	s17 =	simm.s32 $0x1000;
	s8 =	simm.s32 $0x20000;
	s2 =	simm.s32 $0x7  }
0x14: {  	[tilespmem:s3], [sflag:$0x7] =	stream.strided.gather [hbm4b:s0+s17], $0x19000, s8, s17, $0x38;
	[tilespmem:$0x1C100] =	vst v63  }
0x15: {  	_ =	swait.ge [sflag:s2], $0x19000  }
0x16: {  	[sflag:s2] =	ssyncset.done $0x0  }
0x17: {  	s0 =	simm.s32 $0x80;
	s8 =	simm.s32 $0x19000;
	[sflag:s2] =	ssyncadd.s32 $0xFFFE7000  }
0x18: {  	[tilespmem:s8], [sflag:$0x1] =	stream.indirect.gather [hbm4b:s5+s0], $0x10, s3, s0, $0xb8;
	[tilespmem:$0x1C100] =	vst v63  }
0x19: {  	s9 =	simm.s32 $0x19800  }
0x1a: {  	[tilespmem:s9], [sflag:$0x2] =	stream.indirect.gather [hbm4b:s5+s0], $0x10, s0, s0, $0xb8;
	[tilespmem:$0x1C100] =	vst v63  }
0x1b: {  	s14 =	simm.s32 $0x100;
	s15 =	simm.s32 $0x1A000  }
0x1c: {  	[tilespmem:s15], [sflag:$0x3] =	stream.indirect.gather [hbm4b:s5+s0], $0x10, s14, s0, $0xb8;
	[tilespmem:$0x1C100] =	vst v63  }
0x1d: {  	s16 =	simm.s32 $0x180;
	s31 =	simm.s32 $0x0;
	s17 =	simm.s32 $0x1A800  }
0x1e: {  	[tilespmem:s17], [sflag:$0x4] =	stream.indirect.gather [hbm4b:s5+s0], $0x10, s16, s0, $0xb8;
	[tilespmem:$0x1C100] =	vst v63  }
.LBB2_2:
0x1f: {  	s0 =	simm.s32 $0x0;
	s8 =	simm.s32 $0x1;
	s2 =	simm.s32 $0x2  }
0x20: {  	s9 =	simm.s32 $0x3;
	s14 =	simm.s32 $0x5;
	s15 =	simm.s32 $0x6;
	v9 =	vmov s0;
	v10 =	vmov s8;
	v11 =	vmov s2  }
0x21: {  	s16 =	simm.s32 $0x7;
	s17 =	simm.s32 $0x8;
	s8 =	simm.s32 $0x4;
	v12 =	vmov s9;
	v14 =	vmov s14;
	v15 =	vmov s15  }
0x22: {  	v16 =	vmov s16;
	s9 =	simm.s32 $0xA;
	v17 =	vmov s17;
	s14 =	simm.s32 $0xB;
	s15 =	simm.s32 $0xC;
	v13 =	vmov s8  }
0x23: {  	s16 =	simm.s32 $0xD;
	s17 =	simm.s32 $0xE;
	v19 =	vmov s9;
	v20 =	vmov s14;
	v21 =	vmov s15  }
0x24: {  	v22 =	vmov s16;
	v23 =	vmov s17;
	v10 =	vshrl.u32 v10, $0x3  }
0x25: {  	v11 =	vshrl.u32 v11, $0x3;
	v12 =	vshrl.u32 v12, $0x3;
	v14 =	vshrl.u32 v14, $0x3  }
0x26: {  	_ =	swait.ge [sflag:s18], $0x800;
	s8 =	simm.s32 $0x9;
	v15 =	vshrl.u32 v15, $0x3;
	v16 =	vshrl.u32 v16, $0x3;
	v17 =	vshrl.u32 v17, $0x3  }
0x27: {  	p1 =	seq.s32 s31, $0x0;
	[sflag:s18] =	ssyncset.done $0x0;
	v18 =	vmov s8;
	v13 =	vshrl.u32 v13, $0x3;
	v19 =	vshrl.u32 v19, $0x3  }
0x28: {  	s0 =	simm.s32 @!p1 $0x5;
	[sflag:s18] =	ssyncadd.s32 $0xFFFFF800;
	v20 =	vshrl.u32 v20, $0x3;
	v21 =	vshrl.u32 v21, $0x3;
	v10 =	vshll.u32 v10, v1  }
0x29: {  	_ =	swait.ge @!p1 [sflag:s0], $0x800;
	v22 =	vshrl.u32 v22, $0x3;
	v11 =	vshll.u32 v11, v1;
	v12 =	vshll.u32 v12, v1  }
0x2a: {  	v14 =	vshll.u32 v14, v1;
	v15 =	vshll.u32 v15, v1;
	[sflag:s0] =	ssyncset.done @!p1 $0x0;
	v10 =	vbroadcast v10, $0x0  }
0x2b: {  	s2 =	simm.s32 $0x19080;
	v16 =	vshll.u32 v16, v1;
	v17 =	vshll.u32 v17, v1;
	v11 =	vbroadcast v11, $0x0;
	[sflag:s0] =	ssyncadd.s32 @!p1 $0xFFFFF800  }
0x2c: {  	v23 =	vshrl.u32 v23, $0x3;
	v12 =	vbroadcast v12, $0x0;
	v26 =	vld [tilespmem:s2+$0xFFFFFF90];
	v10 =	vadd.s32 v2, v10  }
0x2d: {  	v13 =	vshll.u32 v13, v1;
	v14 =	vbroadcast v14, $0x0;
	v27 =	vld [tilespmem:s2+$0xFFFFFFA0];
	v11 =	vadd.s32 v3, v11  }
0x2e: {  	s8 =	simm.s32 $0xF;
	v20 =	vshll.u32 v20, v1;
	v13 =	vbroadcast v13, $0x0;
	v28 =	vld [tilespmem:s2+$0xFFFFFFB0];
	v12 =	vadd.s32 v4, v12  }
0x2f: {  	v24 =	vmov s8;
	v20 =	vbroadcast v20, $0x0;
	v30 =	vld [tilespmem:s2+$0xFFFFFFD0];
	v14 =	vadd.s32 v6, v14  }
0x30: {  	v15 =	vbroadcast v15, $0x0;
	v24 =	vshrl.u32 v24, $0x3;
	v29 =	vld [tilespmem:s2+$0xFFFFFFC0];
	v13 =	vadd.s32 v5, v13  }
0x31: {  	v16 =	vbroadcast v16, $0x0;
	v24 =	vshll.u32 v24, v1;
	v56 =	vld [tilespmem:s2+$0x30];
	v20 =	vadd.s32 v4, v20;
	[tilespmem:v10+s19+$0x0] =	vst.idx.msk $0xffff, v26  }
0x32: {  	v18 =	vshrl.u32 v18, $0x3;
	v15 =	vadd.s32 v7, v15;
	v24 =	vbroadcast v24, $0x0;
	v10 =	vld [tilespmem:s2+$0xFFFFFFE0];
	[tilespmem:v11+s19+$0x0] =	vst.idx.msk $0xffff, v27  }
0x33: {  	v17 =	vbroadcast v17, $0x0;
	v19 =	vshll.u32 v19, v1;
	v16 =	vadd.s32 v8, v16;
	v11 =	vld [tilespmem:s2+$0xFFFFFFF0];
	[tilespmem:v12+s19+$0x0] =	vst.idx.msk $0xffff, v28  }
0x34: {  	v18 =	vshll.u32 v18, v1;
	v19 =	vbroadcast v19, $0x0;
	v25 =	vld [tilespmem:s2+$0x70];
	v24 =	vadd.s32 v8, v24;
	[tilespmem:v14+s19+$0x0] =	vst.idx.msk $0xffff, v30  }
0x35: {  	s9 =	sshrl.u32 s31, $0x1;
	v21 =	vshll.u32 v21, v1;
	v18 =	vbroadcast v18, $0x0;
	v17 =	vadd.s32 v0, v17;
	v12 =	vld [tilespmem:s2+$0x0];
	[tilespmem:v13+s19+$0x0] =	vst.idx.msk $0xffff, v29  }
0x36: {  	v22 =	vshll.u32 v22, v1;
	s0 =	sand.u32 $0x1FFF, s9;
	v21 =	vbroadcast v21, $0x0;
	v19 =	vadd.s32 v3, v19;
	v14 =	vld [tilespmem:s2+$0x20];
	[tilespmem:v20+s19+$0x0] =	vst.idx.msk $0xffff, v56  }
0x37: {  	v23 =	vshll.u32 v23, v1;
	s0 =	smul.u32 $0x147B, s0;
	v18 =	vadd.s32 v2, v18;
	v13 =	vld [tilespmem:s2+$0x10];
	[tilespmem:v15+s19+$0x0] =	vst.idx.msk $0xffff, v10;
	v10 =	vbroadcast v22, $0x0  }
0x38: {  	v9 =	vshrl.u32 v9, $0x3;
	s15 =	simm.s32 $0x12;
	v15 =	vld [tilespmem:s2+$0x40];
	v22 =	vbroadcast v23, $0x0;
	[tilespmem:v16+s19+$0x0] =	vst.idx.msk $0xffff, v11;
	v11 =	vadd.s32 v5, v21  }
0x39: {  	s17 =	simm.s32 $0x14;
	s16 =	simm.s32 $0x15;
	v9 =	vshll.u32 v9, v1;
	v59 =	vmov s15;
	s14 =	sshrl.u32 s0, $0x11;
	[tilespmem:v24+s19+$0x0] =	vst.idx.msk $0xffff, v25;
	v23 =	vld [tilespmem:s2+$0x50];
	v10 =	vadd.s32 v6, v10  }
0x3a: {  	v62 =	vmov s17;
	s9 =	simm.s32 $0x10;
	s8 =	smul.u32 $0xC8, s14;
	s14 =	simm.s32 $0x11;
	v21 =	vbroadcast v9, $0x0;
	[tilespmem:v17+s19+$0x0] =	vst.idx.msk $0xffff, v12;
	v12 =	vld [tilespmem:s2+$0x60];
	v57 =	vadd.s32 v7, v22  }
0x3b: {  	s15 =	simm.s32 $0x13;
	v31 =	vmov s16;
	s17 =	simm.s32 $0x18;
	v58 =	vmov s14;
	v16 =	vmov s9;
	[tilespmem:v19+s19+$0x0] =	vst.idx.msk $0xffff, v14  }
0x3c: {  	s16 =	simm.s32 $0x17;
	v60 =	vld [tilespmem:s2+$0xFFFFFF80];
	s0 =	sshll.u32 s31, $0x2;
	v19 =	vmov s15;
	s15 =	simm.s32 $0x16;
	v14 =	vmov s17;
	[tilespmem:v18+s19+$0x0] =	vst.idx.msk $0xffff, v13;
	v61 =	vadd.s32 v0, v21  }
0x3d: {  	s9 =	smul.u32 $0x29, s31;
	s17 =	simm.s32 $0x1B;
	v9 =	vshrl.u32 v16, $0x3;
	v63 =	vmov s15;
	v13 =	vmov s16;
	s15 =	simm.s32 $0x19;
	[tilespmem:v11+s19+$0x0] =	vst.idx.msk $0xffff, v15  }
0x3e: {  	s14 =	simm.s32 $0x20;
	s16 =	simm.s32 $0x1A;
	v16 =	vmov s17;
	v19 =	vshrl.u32 v19, $0x3;
	v17 =	vmov s15;
	s15 =	simm.s32 $0x1C;
	[tilespmem:v10+s19+$0x0] =	vst.idx.msk $0xffff, v23  }
0x3f: {  	s17 =	simm.s32 $0x1E;
	v18 =	vmov s16;
	s16 =	simm.s32 $0x1D;
	s9 =	sshrl.u32 s9, $0xB;
	v21 =	vshrl.u32 v59, $0x3;
	v22 =	vmov s15;
	[tilespmem:v57+s19+$0x0] =	vst.idx.msk $0xffff, v12  }
0x40: {  	s8 =	ssub.s32 s0, s8;
	v20 =	vmov s16;
	s9 =	sand.u32 $0x1F, s9;
	v15 =	vmov s17;
	v11 =	vshrl.u32 v31, $0x3;
	s17 =	rddreg [dreg:$0x4]  }
0x41: {  	s8 =	sand.u32 $0xFFFC, s8;
	s15 =	simm.s32 $0x1F;
	v23 =	vshrl.u32 v58, $0x3;
	v12 =	vshrl.u32 v62, $0x3;
	v10 =	vshrl.u32 v63, $0x3;
	[tilespmem:v61+s19+$0x0] =	vst.idx.msk $0xffff, v60;
	s9 =	sadd.s32 s9, s17  }
.LBB2_3:
0x42: {  	p0 =	slt.u32 s14, $0x70;
	v13 =	vshrl.u32 v13, $0x3;
	v14 =	vshrl.u32 v14, $0x3;
	v24 =	vmov s15  }
0x43: {  	v17 =	vshrl.u32 v17, $0x3;
	v18 =	vshrl.u32 v18, $0x3;
	v24 =	vshrl.u32 v24, $0x3  }
0x44: {  	v16 =	vshrl.u32 v16, $0x3;
	v22 =	vshrl.u32 v22, $0x3;
	v24 =	vshll.u32 v24, v1  }
0x45: {  	v23 =	vshll.u32 v23, v1;
	v20 =	vshrl.u32 v20, $0x3;
	v24 =	vbroadcast v24, $0x0  }
0x46: {  	v21 =	vshll.u32 v21, v1;
	v15 =	vshrl.u32 v15, $0x3;
	s2 =	sadd.s32 $0x100, s2;
	v23 =	vbroadcast v23, $0x0  }
0x47: {  	v19 =	vshll.u32 v19, v1;
	v21 =	vbroadcast v21, $0x0;
	v25 =	vld [tilespmem:s2+$0x70];
	v24 =	vadd.s32 v8, v24  }
0x48: {  	v12 =	vshll.u32 v12, v1;
	v19 =	vbroadcast v19, $0x0;
	v23 =	vadd.s32 v2, v23;
	v26 =	vld [tilespmem:s2+$0xFFFFFF90]  }
0x49: {  	v11 =	vshll.u32 v11, v1;
	v12 =	vbroadcast v12, $0x0;
	v21 =	vadd.s32 v3, v21;
	v27 =	vld [tilespmem:s2+$0xFFFFFFA0]  }
0x4a: {  	v10 =	vshll.u32 v10, v1;
	v11 =	vbroadcast v11, $0x0;
	v19 =	vadd.s32 v4, v19;
	v28 =	vld [tilespmem:s2+$0xFFFFFFB0]  }
0x4b: {  	v10 =	vbroadcast v10, $0x0;
	v13 =	vshll.u32 v13, v1;
	v12 =	vadd.s32 v5, v12;
	v29 =	vld [tilespmem:s2+$0xFFFFFFC0]  }
0x4c: {  	v14 =	vshll.u32 v14, v1;
	v13 =	vbroadcast v13, $0x0;
	v11 =	vadd.s32 v6, v11;
	v30 =	vld [tilespmem:s2+$0xFFFFFFD0];
	[tilespmem:v24+s19+$0x0] =	vst.idx.msk $0xffff, v25  }
0x4d: {  	v17 =	vshll.u32 v17, v1;
	v14 =	vbroadcast v14, $0x0;
	v10 =	vadd.s32 v7, v10;
	[tilespmem:v23+s19+$0x0] =	vst.idx.msk $0xffff, v26;
	v23 =	vld [tilespmem:s2+$0xFFFFFFE0]  }
0x4e: {  	v18 =	vshll.u32 v18, v1;
	v17 =	vbroadcast v17, $0x0;
	v13 =	vadd.s32 v8, v13;
	[tilespmem:v21+s19+$0x0] =	vst.idx.msk $0xffff, v27;
	v21 =	vld [tilespmem:s2+$0xFFFFFFF0]  }
0x4f: {  	v16 =	vshll.u32 v16, v1;
	v18 =	vbroadcast v18, $0x0;
	v14 =	vadd.s32 v0, v14;
	[tilespmem:v19+s19+$0x0] =	vst.idx.msk $0xffff, v28;
	v19 =	vld [tilespmem:s2+$0x0]  }
0x50: {  	v22 =	vshll.u32 v22, v1;
	v16 =	vbroadcast v16, $0x0;
	v17 =	vadd.s32 v2, v17;
	[tilespmem:v12+s19+$0x0] =	vst.idx.msk $0xffff, v29;
	v12 =	vld [tilespmem:s2+$0x10]  }
0x51: {  	v20 =	vshll.u32 v20, v1;
	v22 =	vbroadcast v22, $0x0;
	v18 =	vadd.s32 v3, v18;
	[tilespmem:v11+s19+$0x0] =	vst.idx.msk $0xffff, v30;
	v11 =	vld [tilespmem:s2+$0x20]  }
0x52: {  	v15 =	vshll.u32 v15, v1;
	v20 =	vbroadcast v20, $0x0;
	v16 =	vadd.s32 v4, v16;
	[tilespmem:v10+s19+$0x0] =	vst.idx.msk $0xffff, v23;
	v10 =	vld [tilespmem:s2+$0x30]  }
0x53: {  	v9 =	vshll.u32 v9, v1;
	v22 =	vadd.s32 v5, v22;
	[tilespmem:v13+s19+$0x0] =	vst.idx.msk $0xffff, v21;
	v21 =	vld [tilespmem:s2+$0x40];
	v13 =	vbroadcast v15, $0x0  }
0x54: {  	s15 =	sadd.s32 $0x1, s14;
	v20 =	vadd.s32 v6, v20;
	v23 =	vbroadcast v9, $0x0;
	v15 =	vmov s14;
	[tilespmem:v14+s19+$0x0] =	vst.idx.msk $0xffff, v19;
	v19 =	vld [tilespmem:s2+$0x50]  }
0x55: {  	s16 =	sadd.s32 $0x2, s14;
	s17 =	sadd.s32 $0x5, s14;
	v25 =	vmov s15;
	v9 =	vshrl.u32 v15, $0x3;
	[tilespmem:v17+s19+$0x0] =	vst.idx.msk $0xffff, v12;
	v12 =	vld [tilespmem:s2+$0x60];
	v24 =	vadd.s32 v7, v13  }
0x56: {  	s15 =	sadd.s32 $0x3, s14;
	v26 =	vmov s16;
	s16 =	sadd.s32 $0x4, s14;
	v30 =	vmov s17;
	s17 =	sadd.s32 $0x8, s14;
	v28 =	vadd.s32 v0, v23;
	v27 =	vld [tilespmem:s2+$0xFFFFFF80];
	[tilespmem:v18+s19+$0x0] =	vst.idx.msk $0xffff, v11  }
0x57: {  	v29 =	vmov s16;
	s16 =	sadd.s32 $0x7, s14;
	v14 =	vmov s17;
	s17 =	sadd.s32 $0xB, s14;
	v11 =	vmov s15;
	s15 =	sadd.s32 $0x6, s14;
	[tilespmem:v16+s19+$0x0] =	vst.idx.msk $0xffff, v10  }
.Ltmp0:
0x58: {  	v13 =	vmov s16;
	s16 =	sadd.s32 $0xA, s14;
	v10 =	vmov s15;
	s15 =	sadd.s32 $0x9, s14;
	[tilespmem:v22+s19+$0x0] =	vst.idx.msk $0xffff, v21;
	(pc) =	sbr.rel @p0 .LBB2_3-.Ltmp0, $4  }
0x59: {  	v18 =	vmov s16;
	s16 =	sadd.s32 $0xD, s14;
	v16 =	vmov s17;
	s17 =	sadd.s32 $0xE, s14;
	v17 =	vmov s15;
	s15 =	sadd.s32 $0xC, s14;
	[tilespmem:v20+s19+$0x0] =	vst.idx.msk $0xffff, v19  }
0x5a: {  	v15 =	vmov s17;
	v22 =	vmov s15;
	v20 =	vmov s16;
	[tilespmem:v24+s19+$0x0] =	vst.idx.msk $0xffff, v12  }
0x5b: {  	v23 =	vshrl.u32 v25, $0x3;
	v21 =	vshrl.u32 v26, $0x3;
	v19 =	vshrl.u32 v11, $0x3;
	[tilespmem:v28+s19+$0x0] =	vst.idx.msk $0xffff, v27  }
0x5c: {  	v10 =	vshrl.u32 v10, $0x3;
	v11 =	vshrl.u32 v30, $0x3;
	s15 =	sadd.s32 $0xF, s14;
	s14 =	sadd.s32 $0x10, s14;
	v12 =	vshrl.u32 v29, $0x3  }
0x5d: {  	v13 =	vshrl.u32 v13, $0x3;
	v14 =	vshrl.u32 v14, $0x3;
	v24 =	vmov s15  }
0x5e: {  	v17 =	vshrl.u32 v17, $0x3;
	v18 =	vshrl.u32 v18, $0x3;
	v16 =	vshrl.u32 v16, $0x3  }
0x5f: {  	v22 =	vshrl.u32 v22, $0x3;
	v23 =	vshll.u32 v23, v1;
	v20 =	vshrl.u32 v20, $0x3  }
0x60: {  	v21 =	vshll.u32 v21, v1;
	v15 =	vshrl.u32 v15, $0x3;
	v23 =	vbroadcast v23, $0x0  }
0x61: {  	s2 =	sadd.s32 $0x100, s2;
	v19 =	vshll.u32 v19, v1;
	v12 =	vshll.u32 v12, v1;
	v21 =	vbroadcast v21, $0x0  }
0x62: {  	v11 =	vshll.u32 v11, v1;
	v26 =	vld [tilespmem:s2+$0xFFFFFF90];
	v19 =	vbroadcast v19, $0x0;
	v23 =	vadd.s32 v2, v23  }
0x63: {  	v24 =	vshrl.u32 v24, $0x3;
	v27 =	vld [tilespmem:s2+$0xFFFFFFA0];
	v12 =	vbroadcast v12, $0x0;
	v21 =	vadd.s32 v3, v21  }
0x64: {  	v28 =	vld [tilespmem:s2+$0xFFFFFFB0];
	v11 =	vbroadcast v11, $0x0;
	v24 =	vshll.u32 v24, v1;
	v19 =	vadd.s32 v4, v19  }
0x65: {  	v10 =	vshll.u32 v10, v1;
	v29 =	vld [tilespmem:s2+$0xFFFFFFC0];
	v24 =	vbroadcast v24, $0x0;
	v12 =	vadd.s32 v5, v12  }
0x66: {  	v10 =	vbroadcast v10, $0x0;
	v13 =	vshll.u32 v13, v1;
	v30 =	vld [tilespmem:s2+$0xFFFFFFD0];
	v11 =	vadd.s32 v6, v11  }
0x67: {  	v25 =	vld [tilespmem:s2+$0x70];
	v14 =	vshll.u32 v14, v1;
	v13 =	vbroadcast v13, $0x0;
	v24 =	vadd.s32 v8, v24;
	[tilespmem:v23+s19+$0x0] =	vst.idx.msk $0xffff, v26  }
0x68: {  	v17 =	vshll.u32 v17, v1;
	v14 =	vbroadcast v14, $0x0;
	v10 =	vadd.s32 v7, v10;
	v23 =	vld [tilespmem:s2+$0xFFFFFFE0];
	[tilespmem:v21+s19+$0x0] =	vst.idx.msk $0xffff, v27  }
0x69: {  	v18 =	vshll.u32 v18, v1;
	v17 =	vbroadcast v17, $0x0;
	v13 =	vadd.s32 v8, v13;
	v21 =	vld [tilespmem:s2+$0xFFFFFFF0];
	[tilespmem:v19+s19+$0x0] =	vst.idx.msk $0xffff, v28  }
0x6a: {  	v16 =	vshll.u32 v16, v1;
	v18 =	vbroadcast v18, $0x0;
	v14 =	vadd.s32 v0, v14;
	v19 =	vld [tilespmem:s2+$0x0];
	[tilespmem:v12+s19+$0x0] =	vst.idx.msk $0xffff, v29  }
0x6b: {  	p0 =	seq.s32 s31, $0xC7;
	v22 =	vshll.u32 v22, v1;
	v16 =	vbroadcast v16, $0x0;
	v17 =	vadd.s32 v2, v17;
	v12 =	vld [tilespmem:s2+$0x10];
	[tilespmem:v11+s19+$0x0] =	vst.idx.msk $0xffff, v30  }
0x6c: {  	v20 =	vshll.u32 v20, v1;
	s14 =	sadd.s32 @!p0 $0x4, s0;
	v22 =	vbroadcast v22, $0x0;
	v18 =	vadd.s32 v3, v18;
	v11 =	vld [tilespmem:s2+$0x20];
	[tilespmem:v24+s19+$0x0] =	vst.idx.msk $0xffff, v25  }
0x6d: {  	v15 =	vshll.u32 v15, v1;
	v20 =	vbroadcast v20, $0x0;
	s15 =	smulhi.u32 @!p0 $0x51EB851F, s14;
	v16 =	vadd.s32 v4, v16;
	[tilespmem:v10+s19+$0x0] =	vst.idx.msk $0xffff, v23;
	v10 =	vld [tilespmem:s2+$0x30]  }
0x6e: {  	v9 =	vshll.u32 v9, v1;
	v15 =	vbroadcast v15, $0x0;
	[tilespmem:v13+s19+$0x0] =	vst.idx.msk $0xffff, v21;
	v13 =	vld [tilespmem:s2+$0x40];
	v21 =	vadd.s32 v5, v22  }
0x6f: {  	v9 =	vbroadcast v9, $0x0;
	s16 =	sshrl.u32 @!p0 s15, $0x6;
	[tilespmem:v14+s19+$0x0] =	vst.idx.msk $0xffff, v19;
	v14 =	vld [tilespmem:s2+$0x50];
	v19 =	vadd.s32 v6, v20  }
0x70: {  	v15 =	vadd.s32 v7, v15;
	s16 =	smul.u32 @!p0 $0xC8, s16;
	[tilespmem:v17+s19+$0x0] =	vst.idx.msk $0xffff, v12;
	v12 =	vld [tilespmem:s2+$0x60]  }
0x71: {  	v9 =	vadd.s32 v0, v9;
	v17 =	vld [tilespmem:s2+$0xFFFFFF80];
	[tilespmem:v18+s19+$0x0] =	vst.idx.msk $0xffff, v11  }
0x72: {  	s2 =	ssub.s32 @!p0 s14, s16;
	[tilespmem:v16+s19+$0x0] =	vst.idx.msk $0xffff, v10  }
0x73: {  	s15 =	sshll.u32 @!p0 s15, $0x4;
	s14 =	sshll.u32 @!p0 s2, $0x9;
	[tilespmem:v21+s19+$0x0] =	vst.idx.msk $0xffff, v13  }
0x74: {  	s15 =	sand.u32 @!p0 $0x3FFFFC00, s15;
	s2 =	sshll.u32 @!p0 s2, $0x7;
	s14 =	sand.u32 @!p0 $0x1F000, s14;
	[tilespmem:v19+s19+$0x0] =	vst.idx.msk $0xffff, v14  }
0x75: {  	s2 =	sand.u32 @!p0 $0x200, s2;
	s14 =	sadd.s32 @!p0 s15, s14;
	[tilespmem:v15+s19+$0x0] =	vst.idx.msk $0xffff, v12  }
0x76: {  	s15 =	simm.s32 @!p0 $0x19000;
	s2 =	sor.u32 @!p0 s2, s14;
	s14 =	simm.s32 @!p0 $0x80;
	[tilespmem:v9+s19+$0x0] =	vst.idx.msk $0xffff, v17  }
0x77: {  	[tilespmem:s15], [sflag:$0x1] =	stream.indirect.gather @!p0 [hbm4b:s5+s14], $0x10, s2, s14, $0xb8;
	[tilespmem:$0x1C100] =	vst v63  }
0x78: {  	s2 =	sshll.u32 s9, $0x7  }
0x79: {  	s8 =	sshll.u32 s8, $0xF;
	s9 =	sadd.s32 s1, s2  }
0x7a: {  	s8 =	sadd.s32 s8, s9  }
0x7b: {  	[hbm4b:s8+s3] =	stream.linear.scatter [tilespmem:s19], [sflag:$0x5], $0x80, $0x38;
	[tilespmem:$0x1C100] =	vst v63  }
0x7c: {  	s15 =	simm.s32 $0x1B088;
	s9 =	sadd.s32 $0x10, s8  }
0x7d: {  	[hbm4b:s9+s3] =	stream.linear.scatter [tilespmem:s15], [sflag:$0x5], $0x80, $0x38;
	[tilespmem:$0x1C100] =	vst v63  }
0x7e: {  	s17 =	simm.s32 $0x1B110;
	s16 =	sadd.s32 $0x20, s8  }
0x7f: {  	[hbm4b:s16+s3] =	stream.linear.scatter [tilespmem:s17], [sflag:$0x5], $0x80, $0x38;
	[tilespmem:$0x1C100] =	vst v63  }
0x80: {  	s14 =	sadd.s32 $0x30, s8;
	s15 =	simm.s32 $0x1B198  }
0x81: {  	[hbm4b:s14+s3] =	stream.linear.scatter [tilespmem:s15], [sflag:$0x5], $0x80, $0x38;
	[tilespmem:$0x1C100] =	vst v63  }
0x82: {  	s16 =	sadd.s32 $0x40, s8;
	s17 =	simm.s32 $0x1B220  }
0x83: {  	[hbm4b:s16+s3] =	stream.linear.scatter [tilespmem:s17], [sflag:$0x5], $0x80, $0x38;
	[tilespmem:$0x1C100] =	vst v63  }
0x84: {  	s14 =	sadd.s32 $0x50, s8;
	s15 =	simm.s32 $0x1B2A8  }
0x85: {  	[hbm4b:s14+s3] =	stream.linear.scatter [tilespmem:s15], [sflag:$0x5], $0x80, $0x38;
	[tilespmem:$0x1C100] =	vst v63  }
0x86: {  	s16 =	sadd.s32 $0x60, s8;
	s17 =	simm.s32 $0x1B330  }
0x87: {  	[hbm4b:s16+s3] =	stream.linear.scatter [tilespmem:s17], [sflag:$0x5], $0x80, $0x38;
	[tilespmem:$0x1C100] =	vst v63  }
0x88: {  	s14 =	sadd.s32 $0x70, s8;
	s15 =	simm.s32 $0x1B3B8  }
0x89: {  	[hbm4b:s14+s3] =	stream.linear.scatter [tilespmem:s15], [sflag:$0x5], $0x80, $0x38;
	[tilespmem:$0x1C100] =	vst v63  }
0x8a: {  	s16 =	sadd.s32 $0x4000, s8;
	s17 =	simm.s32 $0x1B440  }
0x8b: {  	[hbm4b:s16+s3] =	stream.linear.scatter [tilespmem:s17], [sflag:$0x5], $0x80, $0x38;
	[tilespmem:$0x1C100] =	vst v63  }
0x8c: {  	s14 =	sadd.s32 $0x4010, s8;
	s15 =	simm.s32 $0x1B4C8  }
0x8d: {  	[hbm4b:s14+s3] =	stream.linear.scatter [tilespmem:s15], [sflag:$0x5], $0x80, $0x38;
	[tilespmem:$0x1C100] =	vst v63  }
0x8e: {  	s16 =	sadd.s32 $0x4020, s8;
	s17 =	simm.s32 $0x1B550  }
0x8f: {  	[hbm4b:s16+s3] =	stream.linear.scatter [tilespmem:s17], [sflag:$0x5], $0x80, $0x38;
	[tilespmem:$0x1C100] =	vst v63  }
0x90: {  	s14 =	sadd.s32 $0x4030, s8;
	s15 =	simm.s32 $0x1B5D8  }
0x91: {  	[hbm4b:s14+s3] =	stream.linear.scatter [tilespmem:s15], [sflag:$0x5], $0x80, $0x38;
	[tilespmem:$0x1C100] =	vst v63  }
0x92: {  	s16 =	sadd.s32 $0x4040, s8;
	s17 =	simm.s32 $0x1B660  }
0x93: {  	[hbm4b:s16+s3] =	stream.linear.scatter [tilespmem:s17], [sflag:$0x5], $0x80, $0x38;
	[tilespmem:$0x1C100] =	vst v63  }
0x94: {  	s14 =	sadd.s32 $0x4050, s8;
	s15 =	simm.s32 $0x1B6E8  }
0x95: {  	[hbm4b:s14+s3] =	stream.linear.scatter [tilespmem:s15], [sflag:$0x5], $0x80, $0x38;
	[tilespmem:$0x1C100] =	vst v63  }
0x96: {  	s9 =	simm.s32 $0x13;
	s16 =	sadd.s32 $0x4060, s8;
	s15 =	simm.s32 $0x1  }
0x97: {  	s17 =	simm.s32 $0x1B770;
	s14 =	simm.s32 $0x0;
	v10 =	vmov s15;
	s15 =	simm.s32 $0x3  }
0x98: {  	v62 =	vmov s9;
	v9 =	vmov s14;
	[hbm4b:s16+s3] =	stream.linear.scatter [tilespmem:s17], [sflag:$0x5], $0x80, $0x38;
	[tilespmem:$0x1C100] =	vst v63  }
0x99: {  	s14 =	simm.s32 $0xF;
	v9 =	vshrl.u32 v9, $0x3;
	s16 =	simm.s32 $0x2;
	s17 =	simm.s32 $0x4;
	v12 =	vmov s15;
	v10 =	vshrl.u32 v10, $0x3  }
0x9a: {  	s15 =	simm.s32 $0x6;
	v50 =	vmov s14;
	v11 =	vmov s16;
	v13 =	vmov s17;
	s17 =	simm.s32 $0x7  }
0x9b: {  	v15 =	vmov s15;
	v12 =	vshrl.u32 v12, $0x3;
	v16 =	vmov s17;
	s17 =	simm.s32 $0xA  }
0x9c: {  	s16 =	simm.s32 $0x5;
	v24 =	vshrl.u32 v50, $0x3;
	v10 =	vshll.u32 v10, v1;
	v19 =	vmov s17;
	s17 =	simm.s32 $0xD  }
0x9d: {  	s8 =	sadd.s32 $0x4070, s8;
	s15 =	simm.s32 $0x9;
	v9 =	vshll.u32 v9, v1;
	v14 =	vmov s16;
	v22 =	vmov s17;
	s17 =	simm.s32 $0x1B7F8  }
0x9e: {  	v18 =	vmov s15;
	v11 =	vshrl.u32 v11, $0x3;
	v13 =	vshrl.u32 v13, $0x3;
	[hbm4b:s8+s3] =	stream.linear.scatter [tilespmem:s17], [sflag:$0x5], $0x80, $0x38;
	[tilespmem:$0x1C100] =	vst v63  }
0x9f: {  	s16 =	simm.s32 $0x8;
	v15 =	vshrl.u32 v15, $0x3;
	v24 =	vshll.u32 v24, v1;
	v10 =	vbroadcast v10, $0x0;
	_ =	swait.ge [sflag:s12], $0x800  }
0xa0: {  	s15 =	simm.s32 $0xC;
	v12 =	vshll.u32 v12, v1;
	v9 =	vbroadcast v9, $0x0;
	v17 =	vmov s16;
	[sflag:s12] =	ssyncset.done $0x0  }
0xa1: {  	v21 =	vmov s15;
	v14 =	vshrl.u32 v14, $0x3;
	v16 =	vshrl.u32 v16, $0x3;
	s8 =	simm.s32 @!p1 $0x6;
	[sflag:s12] =	ssyncadd.s32 $0xFFFFF800  }
0xa2: {  	v18 =	vshrl.u32 v18, $0x3;
	v24 =	vbroadcast v24, $0x0;
	v11 =	vshll.u32 v11, v1;
	_ =	swait.ge @!p1 [sflag:s8], $0x800  }
0xa3: {  	s16 =	simm.s32 $0xB;
	v12 =	vbroadcast v12, $0x0;
	v13 =	vshll.u32 v13, v1;
	v15 =	vshll.u32 v15, v1;
	[sflag:s8] =	ssyncset.done @!p1 $0x0  }
0xa4: {  	v20 =	vmov s16;
	v17 =	vshrl.u32 v17, $0x3;
	v19 =	vshrl.u32 v19, $0x3;
	[sflag:s8] =	ssyncadd.s32 @!p1 $0xFFFFF800;
	s8 =	simm.s32 $0x19880  }
0xa5: {  	v21 =	vshrl.u32 v21, $0x3;
	v11 =	vbroadcast v11, $0x0;
	v24 =	vadd.s32 v8, v24;
	v51 =	vld [tilespmem:s8+$0x70]  }
0xa6: {  	v10 =	vadd.s32 v2, v10;
	v13 =	vbroadcast v13, $0x0;
	v14 =	vshll.u32 v14, v1;
	v52 =	vld [tilespmem:s8+$0xFFFFFF90]  }
0xa7: {  	v15 =	vbroadcast v15, $0x0;
	v20 =	vshrl.u32 v20, $0x3;
	v11 =	vadd.s32 v3, v11;
	v53 =	vld [tilespmem:s8+$0xFFFFFFA0]  }
0xa8: {  	v12 =	vadd.s32 v4, v12;
	v14 =	vbroadcast v14, $0x0;
	v20 =	vshll.u32 v20, v1;
	v54 =	vld [tilespmem:s8+$0xFFFFFFB0]  }
0xa9: {  	s16 =	simm.s32 $0xE;
	v16 =	vshll.u32 v16, v1;
	v13 =	vadd.s32 v5, v13;
	v20 =	vbroadcast v20, $0x0;
	v55 =	vld [tilespmem:s8+$0xFFFFFFC0]  }
0xaa: {  	v18 =	vshll.u32 v18, v1;
	v23 =	vmov s16;
	v14 =	vadd.s32 v6, v14;
	v56 =	vld [tilespmem:s8+$0xFFFFFFD0];
	[tilespmem:v24+s13+$0x0] =	vst.idx.msk $0xffff, v51  }
0xab: {  	v16 =	vbroadcast v16, $0x0;
	v17 =	vshll.u32 v17, v1;
	v20 =	vadd.s32 v4, v20;
	v57 =	vld [tilespmem:s8+$0x30];
	[tilespmem:v10+s13+$0x0] =	vst.idx.msk $0xffff, v52  }
0xac: {  	v22 =	vshrl.u32 v22, $0x3;
	v15 =	vadd.s32 v7, v15;
	v17 =	vbroadcast v17, $0x0;
	v10 =	vld [tilespmem:s8+$0xFFFFFFE0];
	[tilespmem:v11+s13+$0x0] =	vst.idx.msk $0xffff, v53  }
0xad: {  	v19 =	vshll.u32 v19, v1;
	v18 =	vbroadcast v18, $0x0;
	v16 =	vadd.s32 v8, v16;
	v11 =	vld [tilespmem:s8+$0xFFFFFFF0];
	[tilespmem:v12+s13+$0x0] =	vst.idx.msk $0xffff, v54  }
0xae: {  	v21 =	vshll.u32 v21, v1;
	v19 =	vbroadcast v19, $0x0;
	v17 =	vadd.s32 v0, v17;
	v12 =	vld [tilespmem:s8+$0x0];
	[tilespmem:v13+s13+$0x0] =	vst.idx.msk $0xffff, v55  }
0xaf: {  	v23 =	vshrl.u32 v23, $0x3;
	v22 =	vshll.u32 v22, v1;
	v18 =	vadd.s32 v2, v18;
	v13 =	vld [tilespmem:s8+$0x10];
	[tilespmem:v14+s13+$0x0] =	vst.idx.msk $0xffff, v56  }
0xb0: {  	v21 =	vbroadcast v21, $0x0;
	v23 =	vshll.u32 v23, v1;
	v19 =	vadd.s32 v3, v19;
	v14 =	vld [tilespmem:s8+$0x20];
	[tilespmem:v20+s13+$0x0] =	vst.idx.msk $0xffff, v57  }
0xb1: {  	s9 =	simm.s32 $0x16;
	v61 =	vadd.s32 v0, v9;
	s16 =	simm.s32 $0x11;
	v60 =	vld [tilespmem:s8+$0xFFFFFF80];
	[tilespmem:v15+s13+$0x0] =	vst.idx.msk $0xffff, v10;
	v10 =	vbroadcast v22, $0x0;
	v22 =	vbroadcast v23, $0x0  }
0xb2: {  	v32 =	vmov s9;
	s9 =	simm.s32 $0x19;
	s15 =	simm.s32 $0x10;
	v59 =	vmov s16;
	s16 =	simm.s32 $0x14;
	v15 =	vld [tilespmem:s8+$0x40];
	[tilespmem:v16+s13+$0x0] =	vst.idx.msk $0xffff, v11;
	v11 =	vadd.s32 v5, v21  }
0xb3: {  	s14 =	sor.u32 $0x1, s0;
	s17 =	simm.s32 $0x12;
	v63 =	vmov s16;
	s16 =	simm.s32 $0x17;
	v23 =	vmov s15;
	[tilespmem:v17+s13+$0x0] =	vst.idx.msk $0xffff, v12;
	v12 =	vld [tilespmem:s8+$0x60];
	v22 =	vadd.s32 v7, v22  }
0xb4: {  	v58 =	vld [tilespmem:s8+$0x50];
	s15 =	smulhi.u32 $0x51EB851F, s14;
	[tilespmem:v18+s13+$0x0] =	vst.idx.msk $0xffff, v13;
	v18 =	vmov s17;
	s17 =	simm.s32 $0x15;
	v13 =	vmov s16;
	s16 =	simm.s32 $0x1A;
	v10 =	vadd.s32 v6, v10  }
0xb5: {  	[tilespmem:v19+s13+$0x0] =	vst.idx.msk $0xffff, v14;
	v16 =	vmov s9;
	s9 =	simm.s32 $0x1C;
	v31 =	vmov s17;
	s17 =	simm.s32 $0x18;
	v19 =	vmov s16  }
0xb6: {  	[tilespmem:v61+s13+$0x0] =	vst.idx.msk $0xffff, v60;
	s16 =	simm.s32 $0x1D;
	v21 =	vmov s9;
	v9 =	vshrl.u32 v23, $0x3;
	v14 =	vmov s17;
	s17 =	simm.s32 $0x1B;
	s15 =	sshrl.u32 s15, $0x6  }
0xb7: {  	v23 =	vshrl.u32 v59, $0x3;
	v20 =	vmov s16;
	v17 =	vmov s17;
	s17 =	simm.s32 $0x1E;
	s15 =	smul.u32 $0xC8, s15;
	[tilespmem:v11+s13+$0x0] =	vst.idx.msk $0xffff, v15  }
0xb8: {  	v15 =	vmov s17;
	v11 =	vshrl.u32 v31, $0x3;
	[tilespmem:v22+s13+$0x0] =	vst.idx.msk $0xffff, v12;
	v22 =	vshrl.u32 v18, $0x3  }
0xb9: {  	s9 =	ssub.s32 s14, s15;
	s15 =	simm.s32 $0x1F;
	s14 =	simm.s32 $0x20;
	[tilespmem:v10+s13+$0x0] =	vst.idx.msk $0xffff, v58;
	v18 =	vshrl.u32 v62, $0x3;
	v12 =	vshrl.u32 v63, $0x3;
	v10 =	vshrl.u32 v32, $0x3  }
.LBB2_5:
0xba: {  	p1 =	slt.u32 s14, $0x70;
	v13 =	vshrl.u32 v13, $0x3;
	v14 =	vshrl.u32 v14, $0x3;
	v24 =	vmov s15  }
0xbb: {  	v16 =	vshrl.u32 v16, $0x3;
	v19 =	vshrl.u32 v19, $0x3;
	v24 =	vshrl.u32 v24, $0x3  }
0xbc: {  	v17 =	vshrl.u32 v17, $0x3;
	v21 =	vshrl.u32 v21, $0x3;
	v24 =	vshll.u32 v24, v1  }
0xbd: {  	v23 =	vshll.u32 v23, v1;
	v20 =	vshrl.u32 v20, $0x3;
	v24 =	vbroadcast v24, $0x0  }
0xbe: {  	v22 =	vshll.u32 v22, v1;
	v15 =	vshrl.u32 v15, $0x3;
	s8 =	sadd.s32 $0x100, s8;
	v23 =	vbroadcast v23, $0x0  }
0xbf: {  	v18 =	vshll.u32 v18, v1;
	v22 =	vbroadcast v22, $0x0;
	v25 =	vld [tilespmem:s8+$0x70];
	v24 =	vadd.s32 v8, v24  }
0xc0: {  	v12 =	vshll.u32 v12, v1;
	v18 =	vbroadcast v18, $0x0;
	v23 =	vadd.s32 v2, v23;
	v26 =	vld [tilespmem:s8+$0xFFFFFF90]  }
0xc1: {  	v11 =	vshll.u32 v11, v1;
	v12 =	vbroadcast v12, $0x0;
	v22 =	vadd.s32 v3, v22;
	v27 =	vld [tilespmem:s8+$0xFFFFFFA0]  }
0xc2: {  	v10 =	vshll.u32 v10, v1;
	v11 =	vbroadcast v11, $0x0;
	v18 =	vadd.s32 v4, v18;
	v28 =	vld [tilespmem:s8+$0xFFFFFFB0]  }
0xc3: {  	v10 =	vbroadcast v10, $0x0;
	v13 =	vshll.u32 v13, v1;
	v12 =	vadd.s32 v5, v12;
	v29 =	vld [tilespmem:s8+$0xFFFFFFC0]  }
0xc4: {  	v14 =	vshll.u32 v14, v1;
	v13 =	vbroadcast v13, $0x0;
	v11 =	vadd.s32 v6, v11;
	v30 =	vld [tilespmem:s8+$0xFFFFFFD0];
	[tilespmem:v24+s13+$0x0] =	vst.idx.msk $0xffff, v25  }
0xc5: {  	v16 =	vshll.u32 v16, v1;
	v14 =	vbroadcast v14, $0x0;
	v10 =	vadd.s32 v7, v10;
	[tilespmem:v23+s13+$0x0] =	vst.idx.msk $0xffff, v26;
	v23 =	vld [tilespmem:s8+$0xFFFFFFE0]  }
0xc6: {  	v19 =	vshll.u32 v19, v1;
	v16 =	vbroadcast v16, $0x0;
	v13 =	vadd.s32 v8, v13;
	[tilespmem:v22+s13+$0x0] =	vst.idx.msk $0xffff, v27;
	v22 =	vld [tilespmem:s8+$0xFFFFFFF0]  }
0xc7: {  	v17 =	vshll.u32 v17, v1;
	v19 =	vbroadcast v19, $0x0;
	v14 =	vadd.s32 v0, v14;
	[tilespmem:v18+s13+$0x0] =	vst.idx.msk $0xffff, v28;
	v18 =	vld [tilespmem:s8+$0x0]  }
0xc8: {  	v21 =	vshll.u32 v21, v1;
	v17 =	vbroadcast v17, $0x0;
	v16 =	vadd.s32 v2, v16;
	[tilespmem:v12+s13+$0x0] =	vst.idx.msk $0xffff, v29;
	v12 =	vld [tilespmem:s8+$0x10]  }
0xc9: {  	v20 =	vshll.u32 v20, v1;
	v21 =	vbroadcast v21, $0x0;
	v19 =	vadd.s32 v3, v19;
	[tilespmem:v11+s13+$0x0] =	vst.idx.msk $0xffff, v30;
	v11 =	vld [tilespmem:s8+$0x20]  }
0xca: {  	v15 =	vshll.u32 v15, v1;
	v20 =	vbroadcast v20, $0x0;
	v17 =	vadd.s32 v4, v17;
	[tilespmem:v10+s13+$0x0] =	vst.idx.msk $0xffff, v23;
	v10 =	vld [tilespmem:s8+$0x30]  }
0xcb: {  	v9 =	vshll.u32 v9, v1;
	v21 =	vadd.s32 v5, v21;
	[tilespmem:v13+s13+$0x0] =	vst.idx.msk $0xffff, v22;
	v22 =	vld [tilespmem:s8+$0x40];
	v13 =	vbroadcast v15, $0x0  }
0xcc: {  	s15 =	sadd.s32 $0x1, s14;
	v20 =	vadd.s32 v6, v20;
	v23 =	vbroadcast v9, $0x0;
	v15 =	vmov s14;
	[tilespmem:v14+s13+$0x0] =	vst.idx.msk $0xffff, v18;
	v18 =	vld [tilespmem:s8+$0x50]  }
0xcd: {  	s16 =	sadd.s32 $0x2, s14;
	s17 =	sadd.s32 $0x5, s14;
	v25 =	vmov s15;
	v9 =	vshrl.u32 v15, $0x3;
	[tilespmem:v16+s13+$0x0] =	vst.idx.msk $0xffff, v12;
	v12 =	vld [tilespmem:s8+$0x60];
	v24 =	vadd.s32 v7, v13  }
0xce: {  	s15 =	sadd.s32 $0x3, s14;
	v26 =	vmov s16;
	s16 =	sadd.s32 $0x4, s14;
	v30 =	vmov s17;
	s17 =	sadd.s32 $0x8, s14;
	v28 =	vadd.s32 v0, v23;
	v27 =	vld [tilespmem:s8+$0xFFFFFF80];
	[tilespmem:v19+s13+$0x0] =	vst.idx.msk $0xffff, v11  }
0xcf: {  	v29 =	vmov s16;
	s16 =	sadd.s32 $0x7, s14;
	v14 =	vmov s17;
	s17 =	sadd.s32 $0xB, s14;
	v11 =	vmov s15;
	s15 =	sadd.s32 $0x6, s14;
	[tilespmem:v17+s13+$0x0] =	vst.idx.msk $0xffff, v10  }
.Ltmp1:
0xd0: {  	v13 =	vmov s16;
	s16 =	sadd.s32 $0xA, s14;
	v10 =	vmov s15;
	s15 =	sadd.s32 $0x9, s14;
	[tilespmem:v21+s13+$0x0] =	vst.idx.msk $0xffff, v22;
	(pc) =	sbr.rel @p1 .LBB2_5-.Ltmp1, $4  }
0xd1: {  	v19 =	vmov s16;
	s16 =	sadd.s32 $0xD, s14;
	v17 =	vmov s17;
	s17 =	sadd.s32 $0xE, s14;
	v16 =	vmov s15;
	s15 =	sadd.s32 $0xC, s14;
	[tilespmem:v20+s13+$0x0] =	vst.idx.msk $0xffff, v18  }
0xd2: {  	v15 =	vmov s17;
	v21 =	vmov s15;
	v20 =	vmov s16;
	[tilespmem:v24+s13+$0x0] =	vst.idx.msk $0xffff, v12  }
0xd3: {  	v23 =	vshrl.u32 v25, $0x3;
	v22 =	vshrl.u32 v26, $0x3;
	v18 =	vshrl.u32 v11, $0x3;
	[tilespmem:v28+s13+$0x0] =	vst.idx.msk $0xffff, v27  }
0xd4: {  	v10 =	vshrl.u32 v10, $0x3;
	v11 =	vshrl.u32 v30, $0x3;
	s15 =	sadd.s32 $0xF, s14;
	s14 =	sadd.s32 $0x10, s14;
	v12 =	vshrl.u32 v29, $0x3  }
0xd5: {  	v13 =	vshrl.u32 v13, $0x3;
	v14 =	vshrl.u32 v14, $0x3;
	v24 =	vmov s15  }
0xd6: {  	v16 =	vshrl.u32 v16, $0x3;
	v19 =	vshrl.u32 v19, $0x3;
	v17 =	vshrl.u32 v17, $0x3  }
0xd7: {  	v21 =	vshrl.u32 v21, $0x3;
	v23 =	vshll.u32 v23, v1;
	v20 =	vshrl.u32 v20, $0x3  }
0xd8: {  	v22 =	vshll.u32 v22, v1;
	v15 =	vshrl.u32 v15, $0x3;
	v23 =	vbroadcast v23, $0x0  }
0xd9: {  	s8 =	sadd.s32 $0x100, s8;
	v18 =	vshll.u32 v18, v1;
	v12 =	vshll.u32 v12, v1;
	v22 =	vbroadcast v22, $0x0  }
0xda: {  	v11 =	vshll.u32 v11, v1;
	v26 =	vld [tilespmem:s8+$0xFFFFFF90];
	v18 =	vbroadcast v18, $0x0;
	v23 =	vadd.s32 v2, v23  }
0xdb: {  	v24 =	vshrl.u32 v24, $0x3;
	v27 =	vld [tilespmem:s8+$0xFFFFFFA0];
	v12 =	vbroadcast v12, $0x0;
	v22 =	vadd.s32 v3, v22  }
0xdc: {  	v28 =	vld [tilespmem:s8+$0xFFFFFFB0];
	v11 =	vbroadcast v11, $0x0;
	v24 =	vshll.u32 v24, v1;
	v18 =	vadd.s32 v4, v18  }
0xdd: {  	v10 =	vshll.u32 v10, v1;
	v29 =	vld [tilespmem:s8+$0xFFFFFFC0];
	v24 =	vbroadcast v24, $0x0;
	v12 =	vadd.s32 v5, v12  }
0xde: {  	v10 =	vbroadcast v10, $0x0;
	v13 =	vshll.u32 v13, v1;
	v30 =	vld [tilespmem:s8+$0xFFFFFFD0];
	v11 =	vadd.s32 v6, v11  }
0xdf: {  	v25 =	vld [tilespmem:s8+$0x70];
	v14 =	vshll.u32 v14, v1;
	v13 =	vbroadcast v13, $0x0;
	v24 =	vadd.s32 v8, v24;
	[tilespmem:v23+s13+$0x0] =	vst.idx.msk $0xffff, v26  }
0xe0: {  	v16 =	vshll.u32 v16, v1;
	v14 =	vbroadcast v14, $0x0;
	v10 =	vadd.s32 v7, v10;
	v23 =	vld [tilespmem:s8+$0xFFFFFFE0];
	[tilespmem:v22+s13+$0x0] =	vst.idx.msk $0xffff, v27  }
0xe1: {  	v19 =	vshll.u32 v19, v1;
	v16 =	vbroadcast v16, $0x0;
	v13 =	vadd.s32 v8, v13;
	v22 =	vld [tilespmem:s8+$0xFFFFFFF0];
	[tilespmem:v18+s13+$0x0] =	vst.idx.msk $0xffff, v28  }
0xe2: {  	v17 =	vshll.u32 v17, v1;
	v19 =	vbroadcast v19, $0x0;
	v14 =	vadd.s32 v0, v14;
	v18 =	vld [tilespmem:s8+$0x0];
	[tilespmem:v12+s13+$0x0] =	vst.idx.msk $0xffff, v29  }
0xe3: {  	v21 =	vshll.u32 v21, v1;
	v17 =	vbroadcast v17, $0x0;
	v16 =	vadd.s32 v2, v16;
	v12 =	vld [tilespmem:s8+$0x10];
	[tilespmem:v11+s13+$0x0] =	vst.idx.msk $0xffff, v30  }
0xe4: {  	s14 =	sadd.s32 @!p0 $0x5, s0;
	v20 =	vshll.u32 v20, v1;
	v21 =	vbroadcast v21, $0x0;
	v19 =	vadd.s32 v3, v19;
	v11 =	vld [tilespmem:s8+$0x20];
	[tilespmem:v24+s13+$0x0] =	vst.idx.msk $0xffff, v25  }
0xe5: {  	v15 =	vshll.u32 v15, v1;
	s15 =	smulhi.u32 @!p0 $0x51EB851F, s14;
	v20 =	vbroadcast v20, $0x0;
	v17 =	vadd.s32 v4, v17;
	[tilespmem:v10+s13+$0x0] =	vst.idx.msk $0xffff, v23;
	v10 =	vld [tilespmem:s8+$0x30]  }
0xe6: {  	v9 =	vshll.u32 v9, v1;
	v15 =	vbroadcast v15, $0x0;
	v21 =	vadd.s32 v5, v21;
	[tilespmem:v13+s13+$0x0] =	vst.idx.msk $0xffff, v22;
	v13 =	vld [tilespmem:s8+$0x40]  }
0xe7: {  	v9 =	vbroadcast v9, $0x0;
	s16 =	sshrl.u32 @!p0 s15, $0x6;
	[tilespmem:v14+s13+$0x0] =	vst.idx.msk $0xffff, v18;
	v14 =	vld [tilespmem:s8+$0x50];
	v18 =	vadd.s32 v6, v20  }
0xe8: {  	v15 =	vadd.s32 v7, v15;
	s16 =	smul.u32 @!p0 $0xC8, s16;
	[tilespmem:v16+s13+$0x0] =	vst.idx.msk $0xffff, v12;
	v12 =	vld [tilespmem:s8+$0x60]  }
0xe9: {  	v9 =	vadd.s32 v0, v9;
	v16 =	vld [tilespmem:s8+$0xFFFFFF80];
	[tilespmem:v19+s13+$0x0] =	vst.idx.msk $0xffff, v11  }
0xea: {  	s8 =	ssub.s32 @!p0 s14, s16;
	[tilespmem:v17+s13+$0x0] =	vst.idx.msk $0xffff, v10  }
0xeb: {  	s15 =	sshll.u32 @!p0 s15, $0x4;
	s14 =	sshll.u32 @!p0 s8, $0x9;
	[tilespmem:v21+s13+$0x0] =	vst.idx.msk $0xffff, v13  }
0xec: {  	s15 =	sand.u32 @!p0 $0x3FFFFC00, s15;
	s8 =	sshll.u32 @!p0 s8, $0x7;
	s14 =	sand.u32 @!p0 $0x1F000, s14;
	[tilespmem:v18+s13+$0x0] =	vst.idx.msk $0xffff, v14  }
0xed: {  	s8 =	sand.u32 @!p0 $0x280, s8;
	s14 =	sadd.s32 @!p0 s15, s14;
	[tilespmem:v15+s13+$0x0] =	vst.idx.msk $0xffff, v12  }
0xee: {  	s15 =	simm.s32 @!p0 $0x19800;
	s8 =	sor.u32 @!p0 s8, s14;
	s14 =	simm.s32 @!p0 $0x80;
	[tilespmem:v9+s13+$0x0] =	vst.idx.msk $0xffff, v16  }
0xef: {  	[tilespmem:s15], [sflag:$0x2] =	stream.indirect.gather @!p0 [hbm4b:s5+s14], $0x10, s8, s14, $0xb8;
	[tilespmem:$0x1C100] =	vst v63  }
0xf0: {  	s15 =	sshll.u32 s9, $0xF  }
0xf1: {  	s8 =	sadd.s32 s1, s15  }
0xf2: {  	s9 =	simm.s32 $0x0;
	s8 =	sadd.s32 s2, s8  }
0xf3: {  	[hbm4b:s8+s9] =	stream.linear.scatter [tilespmem:s13], [sflag:$0x6], $0x80, $0x38;
	[tilespmem:$0x1C100] =	vst v63  }
0xf4: {  	s17 =	simm.s32 $0x1B908;
	s16 =	sadd.s32 $0x10, s8  }
0xf5: {  	[hbm4b:s16+s9] =	stream.linear.scatter [tilespmem:s17], [sflag:$0x6], $0x80, $0x38;
	[tilespmem:$0x1C100] =	vst v63  }
0xf6: {  	s16 =	sadd.s32 $0x20, s8;
	s17 =	simm.s32 $0x1B990  }
0xf7: {  	[hbm4b:s16+s9] =	stream.linear.scatter [tilespmem:s17], [sflag:$0x6], $0x80, $0x38;
	[tilespmem:$0x1C100] =	vst v63  }
0xf8: {  	s16 =	sadd.s32 $0x30, s8;
	s17 =	simm.s32 $0x1BA18  }
0xf9: {  	[hbm4b:s16+s9] =	stream.linear.scatter [tilespmem:s17], [sflag:$0x6], $0x80, $0x38;
	[tilespmem:$0x1C100] =	vst v63  }
0xfa: {  	s15 =	sadd.s32 $0x40, s8;
	s16 =	simm.s32 $0x1BAA0  }
0xfb: {  	[hbm4b:s15+s9] =	stream.linear.scatter [tilespmem:s16], [sflag:$0x6], $0x80, $0x38;
	[tilespmem:$0x1C100] =	vst v63  }
0xfc: {  	s17 =	sadd.s32 $0x50, s8  }
0xfd: {  	[hbm4b:s17+s9] =	stream.linear.scatter [tilespmem:s6], [sflag:$0x6], $0x80, $0x38;
	[tilespmem:$0x1C100] =	vst v63  }
0xfe: {  	s15 =	sadd.s32 $0x60, s8  }
0xff: {  	[hbm4b:s15+s9] =	stream.linear.scatter [tilespmem:s7], [sflag:$0x6], $0x80, $0x38;
	[tilespmem:$0x1C100] =	vst v63  }
0x100: {  	s16 =	sadd.s32 $0x70, s8  }
0x101: {  	[hbm4b:s16+s9] =	stream.linear.scatter [tilespmem:s10], [sflag:$0x6], $0x80, $0x38;
	[tilespmem:$0x1C100] =	vst v63  }
0x102: {  	s17 =	sadd.s32 $0x4000, s8  }
0x103: {  	[hbm4b:s17+s9] =	stream.linear.scatter [tilespmem:s11], [sflag:$0x6], $0x80, $0x38;
	[tilespmem:$0x1C100] =	vst v63  }
0x104: {  	s15 =	sadd.s32 $0x4010, s8  }
0x105: {  	[hbm4b:s15+s9] =	stream.linear.scatter [tilespmem:s4], [sflag:$0x6], $0x80, $0x38;
	[tilespmem:$0x1C100] =	vst v63  }
0x106: {  	s16 =	sadd.s32 $0x4020, s8  }
0x107: {  	[hbm4b:s16+s9] =	stream.linear.scatter [tilespmem:s20], [sflag:$0x6], $0x80, $0x38;
	[tilespmem:$0x1C100] =	vst v63  }
0x108: {  	s14 =	simm.s32 $0x4;
	s17 =	sadd.s32 $0x4030, s8  }
0x109: {  	[hbm4b:s17+s9] =	stream.linear.scatter [tilespmem:s21], [sflag:$0x6], $0x80, $0x38;
	[tilespmem:$0x1C100] =	vst v63  }
0x10a: {  	v12 =	vmov s14;
	s14 =	simm.s32 $0x7;
	s15 =	sadd.s32 $0x4040, s8  }
0x10b: {  	v15 =	vmov s14;
	[hbm4b:s15+s9] =	stream.linear.scatter [tilespmem:s22], [sflag:$0x6], $0x80, $0x38;
	[tilespmem:$0x1C100] =	vst v63  }
0x10c: {  	v12 =	vshrl.u32 v12, $0x3;
	v15 =	vshrl.u32 v15, $0x3;
	s15 =	simm.s32 $0x1  }
0x10d: {  	v12 =	vshll.u32 v12, v1;
	v15 =	vshll.u32 v15, v1;
	s16 =	sadd.s32 $0x4050, s8;
	v9 =	vmov s15;
	s15 =	simm.s32 $0x5  }
0x10e: {  	v18 =	vmov s9;
	v12 =	vbroadcast v12, $0x0;
	v15 =	vbroadcast v15, $0x0;
	[hbm4b:s16+s9] =	stream.linear.scatter [tilespmem:s23], [sflag:$0x6], $0x80, $0x38;
	[tilespmem:$0x1C100] =	vst v63  }
0x10f: {  	v18 =	vshrl.u32 v18, $0x3;
	s17 =	sadd.s32 $0x4060, s8;
	s16 =	simm.s32 $0x2;
	v13 =	vmov s15;
	s15 =	simm.s32 $0x8  }
0x110: {  	v12 =	vadd.s32 v5, v12;
	v15 =	vadd.s32 v8, v15;
	v9 =	vshrl.u32 v9, $0x3;
	[hbm4b:s17+s9] =	stream.linear.scatter [tilespmem:s24], [sflag:$0x6], $0x80, $0x38;
	[tilespmem:$0x1C100] =	vst v63  }
0x111: {  	s8 =	sadd.s32 $0x4070, s8;
	v10 =	vmov s16;
	v16 =	vmov s15;
	s15 =	simm.s32 $0xA;
	s16 =	simm.s32 $0xD;
	v13 =	vshrl.u32 v13, $0x3  }
0x112: {  	v9 =	vshll.u32 v9, v1;
	v19 =	vmov s15;
	v22 =	vmov s16;
	[hbm4b:s8+s9] =	stream.linear.scatter [tilespmem:s25], [sflag:$0x6], $0x80, $0x38;
	[tilespmem:$0x1C100] =	vst v63  }
0x113: {  	s17 =	simm.s32 $0x3;
	v10 =	vshrl.u32 v10, $0x3;
	v16 =	vshrl.u32 v16, $0x3;
	v9 =	vbroadcast v9, $0x0;
	s9 =	simm.s32 $0xF;
	_ =	swait.ge [sflag:s26], $0x800  }
0x114: {  	s15 =	simm.s32 $0xC;
	v13 =	vshll.u32 v13, v1;
	v11 =	vmov s17;
	v50 =	vmov s9;
	[sflag:s26] =	ssyncset.done $0x0  }
0x115: {  	v21 =	vmov s15;
	v19 =	vshrl.u32 v19, $0x3;
	v24 =	vshrl.u32 v50, $0x3;
	[sflag:s26] =	ssyncadd.s32 $0xFFFFF800  }
0x116: {  	v22 =	vshrl.u32 v22, $0x3;
	v10 =	vshll.u32 v10, v1;
	v24 =	vshll.u32 v24, v1;
	_ =	swait.ge [sflag:s28], $0x800  }
0x117: {  	s17 =	simm.s32 $0x6;
	v13 =	vbroadcast v13, $0x0;
	v16 =	vshll.u32 v16, v1;
	v24 =	vbroadcast v24, $0x0;
	[sflag:s28] =	ssyncset.done $0x0  }
0x118: {  	v14 =	vmov s17;
	v11 =	vshrl.u32 v11, $0x3;
	v21 =	vshrl.u32 v21, $0x3;
	s8 =	simm.s32 $0x1A080;
	[sflag:s28] =	ssyncadd.s32 $0xFFFFF800  }
0x119: {  	v10 =	vbroadcast v10, $0x0;
	v11 =	vshll.u32 v11, v1;
	v24 =	vadd.s32 v8, v24;
	v51 =	vld [tilespmem:s8+$0x70]  }
0x11a: {  	v9 =	vadd.s32 v2, v9;
	v16 =	vbroadcast v16, $0x0;
	v11 =	vbroadcast v11, $0x0;
	v52 =	vld [tilespmem:s8+$0xFFFFFF90]  }
0x11b: {  	v19 =	vshll.u32 v19, v1;
	v14 =	vshrl.u32 v14, $0x3;
	v10 =	vadd.s32 v3, v10;
	v53 =	vld [tilespmem:s8+$0xFFFFFFA0]  }
0x11c: {  	s15 =	simm.s32 $0x11;
	s17 =	simm.s32 $0x9;
	v22 =	vshll.u32 v22, v1;
	v14 =	vshll.u32 v14, v1;
	v11 =	vadd.s32 v4, v11;
	v54 =	vld [tilespmem:s8+$0xFFFFFFB0]  }
0x11d: {  	v59 =	vmov s15;
	v17 =	vmov s17;
	s17 =	simm.s32 $0xB;
	v14 =	vbroadcast v14, $0x0;
	v55 =	vld [tilespmem:s8+$0xFFFFFFC0]  }
0x11e: {  	v13 =	vadd.s32 v6, v13;
	v20 =	vmov s17;
	v17 =	vshrl.u32 v17, $0x3;
	v56 =	vld [tilespmem:s8+$0xFFFFFFD0];
	[tilespmem:v24+s19+$0x0] =	vst.idx.msk $0xffff, v51  }
0x11f: {  	v20 =	vshrl.u32 v20, $0x3;
	v17 =	vshll.u32 v17, v1;
	v14 =	vadd.s32 v7, v14;
	[tilespmem:v9+s19+$0x0] =	vst.idx.msk $0xffff, v52;
	v9 =	vld [tilespmem:s8+$0xFFFFFFE0]  }
0x120: {  	v19 =	vbroadcast v19, $0x0;
	v17 =	vbroadcast v17, $0x0;
	v20 =	vshll.u32 v20, v1;
	[tilespmem:v10+s19+$0x0] =	vst.idx.msk $0xffff, v53;
	v10 =	vld [tilespmem:s8+$0xFFFFFFF0]  }
0x121: {  	s15 =	simm.s32 $0x14;
	v21 =	vshll.u32 v21, v1;
	s17 =	simm.s32 $0xE;
	v16 =	vadd.s32 v0, v16;
	v20 =	vbroadcast v20, $0x0;
	[tilespmem:v11+s19+$0x0] =	vst.idx.msk $0xffff, v54;
	v11 =	vld [tilespmem:s8+$0x0]  }
0x122: {  	v63 =	vmov s15;
	v23 =	vmov s17;
	v17 =	vadd.s32 v2, v17;
	[tilespmem:v12+s19+$0x0] =	vst.idx.msk $0xffff, v55;
	v12 =	vld [tilespmem:s8+$0x10]  }
0x123: {  	v21 =	vbroadcast v21, $0x0;
	v23 =	vshrl.u32 v23, $0x3;
	v57 =	vld [tilespmem:s8+$0x30];
	v20 =	vadd.s32 v4, v20;
	[tilespmem:v13+s19+$0x0] =	vst.idx.msk $0xffff, v56  }
0x124: {  	v19 =	vadd.s32 v3, v19;
	v23 =	vshll.u32 v23, v1;
	v13 =	vld [tilespmem:s8+$0x20];
	[tilespmem:v14+s19+$0x0] =	vst.idx.msk $0xffff, v9;
	v9 =	vbroadcast v22, $0x0  }
0x125: {  	s17 =	simm.s32 $0x13;
	v14 =	vshll.u32 v18, v1;
	v22 =	vld [tilespmem:s8+$0x40];
	v18 =	vbroadcast v23, $0x0;
	[tilespmem:v15+s19+$0x0] =	vst.idx.msk $0xffff, v10;
	v10 =	vadd.s32 v5, v21  }
0x126: {  	s16 =	simm.s32 $0x12;
	v62 =	vmov s17;
	s17 =	simm.s32 $0x16;
	v23 =	vld [tilespmem:s8+$0x50];
	[tilespmem:v16+s19+$0x0] =	vst.idx.msk $0xffff, v11;
	v14 =	vbroadcast v14, $0x0;
	v11 =	vadd.s32 v6, v9  }
0x127: {  	s14 =	simm.s32 $0x10;
	v32 =	vmov s17;
	v16 =	vld [tilespmem:s8+$0x60];
	[tilespmem:v17+s19+$0x0] =	vst.idx.msk $0xffff, v12;
	v12 =	vmov s16;
	s16 =	simm.s32 $0x15;
	v58 =	vadd.s32 v7, v18  }
0x128: {  	s15 =	simm.s32 $0x17;
	s17 =	simm.s32 $0x19;
	v60 =	vld [tilespmem:s8+$0xFFFFFF80];
	[tilespmem:v20+s19+$0x0] =	vst.idx.msk $0xffff, v57;
	v15 =	vmov s14;
	v31 =	vmov s16;
	s16 =	simm.s32 $0x18;
	v61 =	vadd.s32 v0, v14  }
0x129: {  	[tilespmem:v19+s19+$0x0] =	vst.idx.msk $0xffff, v13;
	v13 =	vmov s15;
	s15 =	simm.s32 $0x1A;
	v18 =	vmov s17;
	s17 =	simm.s32 $0x1C;
	v14 =	vmov s16;
	s16 =	simm.s32 $0x1B  }
0x12a: {  	v19 =	vmov s15;
	v21 =	vmov s17;
	s17 =	simm.s32 $0x1E;
	v17 =	vmov s16;
	s16 =	simm.s32 $0x1D;
	[tilespmem:v10+s19+$0x0] =	vst.idx.msk $0xffff, v22  }
0x12b: {  	v9 =	vshrl.u32 v15, $0x3;
	v15 =	vmov s17;
	v20 =	vmov s16;
	[tilespmem:v11+s19+$0x0] =	vst.idx.msk $0xffff, v23  }
0x12c: {  	v22 =	vshrl.u32 v12, $0x3;
	v12 =	vshrl.u32 v63, $0x3;
	v10 =	vshrl.u32 v32, $0x3;
	[tilespmem:v58+s19+$0x0] =	vst.idx.msk $0xffff, v16  }
0x12d: {  	s9 =	simm.s32 $0x20;
	s14 =	simm.s32 $0x1F;
	v23 =	vshrl.u32 v59, $0x3;
	v16 =	vshrl.u32 v62, $0x3;
	v11 =	vshrl.u32 v31, $0x3;
	[tilespmem:v61+s19+$0x0] =	vst.idx.msk $0xffff, v60  }
.LBB2_7:
0x12e: {  	p1 =	slt.u32 s9, $0x70;
	v13 =	vshrl.u32 v13, $0x3;
	v14 =	vshrl.u32 v14, $0x3;
	v24 =	vmov s14  }
0x12f: {  	v18 =	vshrl.u32 v18, $0x3;
	v19 =	vshrl.u32 v19, $0x3;
	v24 =	vshrl.u32 v24, $0x3  }
0x130: {  	v17 =	vshrl.u32 v17, $0x3;
	v21 =	vshrl.u32 v21, $0x3;
	v24 =	vshll.u32 v24, v1  }
0x131: {  	v23 =	vshll.u32 v23, v1;
	v20 =	vshrl.u32 v20, $0x3;
	v24 =	vbroadcast v24, $0x0  }
0x132: {  	v22 =	vshll.u32 v22, v1;
	v15 =	vshrl.u32 v15, $0x3;
	s8 =	sadd.s32 $0x100, s8;
	v23 =	vbroadcast v23, $0x0  }
0x133: {  	v16 =	vshll.u32 v16, v1;
	v22 =	vbroadcast v22, $0x0;
	v25 =	vld [tilespmem:s8+$0x70];
	v24 =	vadd.s32 v8, v24  }
0x134: {  	v12 =	vshll.u32 v12, v1;
	v16 =	vbroadcast v16, $0x0;
	v23 =	vadd.s32 v2, v23;
	v26 =	vld [tilespmem:s8+$0xFFFFFF90]  }
0x135: {  	v11 =	vshll.u32 v11, v1;
	v12 =	vbroadcast v12, $0x0;
	v22 =	vadd.s32 v3, v22;
	v27 =	vld [tilespmem:s8+$0xFFFFFFA0]  }
0x136: {  	v10 =	vshll.u32 v10, v1;
	v11 =	vbroadcast v11, $0x0;
	v16 =	vadd.s32 v4, v16;
	v28 =	vld [tilespmem:s8+$0xFFFFFFB0]  }
0x137: {  	v10 =	vbroadcast v10, $0x0;
	v13 =	vshll.u32 v13, v1;
	v12 =	vadd.s32 v5, v12;
	v29 =	vld [tilespmem:s8+$0xFFFFFFC0]  }
0x138: {  	v14 =	vshll.u32 v14, v1;
	v13 =	vbroadcast v13, $0x0;
	v11 =	vadd.s32 v6, v11;
	v30 =	vld [tilespmem:s8+$0xFFFFFFD0];
	[tilespmem:v24+s19+$0x0] =	vst.idx.msk $0xffff, v25  }
0x139: {  	v18 =	vshll.u32 v18, v1;
	v14 =	vbroadcast v14, $0x0;
	v10 =	vadd.s32 v7, v10;
	[tilespmem:v23+s19+$0x0] =	vst.idx.msk $0xffff, v26;
	v23 =	vld [tilespmem:s8+$0xFFFFFFE0]  }
0x13a: {  	v19 =	vshll.u32 v19, v1;
	v18 =	vbroadcast v18, $0x0;
	v13 =	vadd.s32 v8, v13;
	[tilespmem:v22+s19+$0x0] =	vst.idx.msk $0xffff, v27;
	v22 =	vld [tilespmem:s8+$0xFFFFFFF0]  }
0x13b: {  	v17 =	vshll.u32 v17, v1;
	v19 =	vbroadcast v19, $0x0;
	v14 =	vadd.s32 v0, v14;
	[tilespmem:v16+s19+$0x0] =	vst.idx.msk $0xffff, v28;
	v16 =	vld [tilespmem:s8+$0x0]  }
0x13c: {  	v21 =	vshll.u32 v21, v1;
	v17 =	vbroadcast v17, $0x0;
	v18 =	vadd.s32 v2, v18;
	[tilespmem:v12+s19+$0x0] =	vst.idx.msk $0xffff, v29;
	v12 =	vld [tilespmem:s8+$0x10]  }
0x13d: {  	v20 =	vshll.u32 v20, v1;
	v21 =	vbroadcast v21, $0x0;
	v19 =	vadd.s32 v3, v19;
	[tilespmem:v11+s19+$0x0] =	vst.idx.msk $0xffff, v30;
	v11 =	vld [tilespmem:s8+$0x20]  }
0x13e: {  	v15 =	vshll.u32 v15, v1;
	v20 =	vbroadcast v20, $0x0;
	v17 =	vadd.s32 v4, v17;
	[tilespmem:v10+s19+$0x0] =	vst.idx.msk $0xffff, v23;
	v10 =	vld [tilespmem:s8+$0x30]  }
0x13f: {  	v9 =	vshll.u32 v9, v1;
	v21 =	vadd.s32 v5, v21;
	[tilespmem:v13+s19+$0x0] =	vst.idx.msk $0xffff, v22;
	v22 =	vld [tilespmem:s8+$0x40];
	v13 =	vbroadcast v15, $0x0  }
0x140: {  	s14 =	sadd.s32 $0x1, s9;
	v20 =	vadd.s32 v6, v20;
	v23 =	vbroadcast v9, $0x0;
	v15 =	vmov s9;
	[tilespmem:v14+s19+$0x0] =	vst.idx.msk $0xffff, v16;
	v16 =	vld [tilespmem:s8+$0x50]  }
0x141: {  	s15 =	sadd.s32 $0x2, s9;
	s16 =	sadd.s32 $0x5, s9;
	v25 =	vmov s14;
	v9 =	vshrl.u32 v15, $0x3;
	[tilespmem:v18+s19+$0x0] =	vst.idx.msk $0xffff, v12;
	v12 =	vld [tilespmem:s8+$0x60];
	v24 =	vadd.s32 v7, v13  }
0x142: {  	s14 =	sadd.s32 $0x3, s9;
	v26 =	vmov s15;
	s15 =	sadd.s32 $0x4, s9;
	v30 =	vmov s16;
	s16 =	sadd.s32 $0x8, s9;
	v28 =	vadd.s32 v0, v23;
	v27 =	vld [tilespmem:s8+$0xFFFFFF80];
	[tilespmem:v19+s19+$0x0] =	vst.idx.msk $0xffff, v11  }
0x143: {  	v29 =	vmov s15;
	s15 =	sadd.s32 $0x7, s9;
	v14 =	vmov s16;
	s16 =	sadd.s32 $0xB, s9;
	v11 =	vmov s14;
	s14 =	sadd.s32 $0x6, s9;
	[tilespmem:v17+s19+$0x0] =	vst.idx.msk $0xffff, v10  }
.Ltmp2:
0x144: {  	v13 =	vmov s15;
	s15 =	sadd.s32 $0xA, s9;
	v10 =	vmov s14;
	s14 =	sadd.s32 $0x9, s9;
	[tilespmem:v21+s19+$0x0] =	vst.idx.msk $0xffff, v22;
	(pc) =	sbr.rel @p1 .LBB2_7-.Ltmp2, $4  }
0x145: {  	v19 =	vmov s15;
	s15 =	sadd.s32 $0xD, s9;
	v17 =	vmov s16;
	s16 =	sadd.s32 $0xE, s9;
	v18 =	vmov s14;
	s14 =	sadd.s32 $0xC, s9;
	[tilespmem:v20+s19+$0x0] =	vst.idx.msk $0xffff, v16  }
0x146: {  	v15 =	vmov s16;
	v21 =	vmov s14;
	v20 =	vmov s15;
	[tilespmem:v24+s19+$0x0] =	vst.idx.msk $0xffff, v12  }
0x147: {  	v23 =	vshrl.u32 v25, $0x3;
	v22 =	vshrl.u32 v26, $0x3;
	v16 =	vshrl.u32 v11, $0x3;
	[tilespmem:v28+s19+$0x0] =	vst.idx.msk $0xffff, v27  }
0x148: {  	v10 =	vshrl.u32 v10, $0x3;
	v11 =	vshrl.u32 v30, $0x3;
	s14 =	sadd.s32 $0xF, s9;
	s9 =	sadd.s32 $0x10, s9;
	v12 =	vshrl.u32 v29, $0x3  }
0x149: {  	v13 =	vshrl.u32 v13, $0x3;
	v14 =	vshrl.u32 v14, $0x3;
	v24 =	vmov s14  }
0x14a: {  	v18 =	vshrl.u32 v18, $0x3;
	v19 =	vshrl.u32 v19, $0x3;
	v17 =	vshrl.u32 v17, $0x3  }
0x14b: {  	v21 =	vshrl.u32 v21, $0x3;
	v23 =	vshll.u32 v23, v1;
	v20 =	vshrl.u32 v20, $0x3  }
0x14c: {  	v22 =	vshll.u32 v22, v1;
	v15 =	vshrl.u32 v15, $0x3;
	v23 =	vbroadcast v23, $0x0  }
0x14d: {  	s8 =	sadd.s32 $0x100, s8;
	v16 =	vshll.u32 v16, v1;
	v12 =	vshll.u32 v12, v1;
	v22 =	vbroadcast v22, $0x0  }
0x14e: {  	v11 =	vshll.u32 v11, v1;
	v26 =	vld [tilespmem:s8+$0xFFFFFF90];
	v16 =	vbroadcast v16, $0x0;
	v23 =	vadd.s32 v2, v23  }
0x14f: {  	v24 =	vshrl.u32 v24, $0x3;
	v27 =	vld [tilespmem:s8+$0xFFFFFFA0];
	v12 =	vbroadcast v12, $0x0;
	v22 =	vadd.s32 v3, v22  }
0x150: {  	v28 =	vld [tilespmem:s8+$0xFFFFFFB0];
	v11 =	vbroadcast v11, $0x0;
	v24 =	vshll.u32 v24, v1;
	v16 =	vadd.s32 v4, v16  }
0x151: {  	v10 =	vshll.u32 v10, v1;
	v29 =	vld [tilespmem:s8+$0xFFFFFFC0];
	v24 =	vbroadcast v24, $0x0;
	v12 =	vadd.s32 v5, v12  }
0x152: {  	v10 =	vbroadcast v10, $0x0;
	v13 =	vshll.u32 v13, v1;
	v30 =	vld [tilespmem:s8+$0xFFFFFFD0];
	v11 =	vadd.s32 v6, v11  }
0x153: {  	v25 =	vld [tilespmem:s8+$0x70];
	v14 =	vshll.u32 v14, v1;
	v13 =	vbroadcast v13, $0x0;
	v24 =	vadd.s32 v8, v24;
	[tilespmem:v23+s19+$0x0] =	vst.idx.msk $0xffff, v26  }
0x154: {  	v18 =	vshll.u32 v18, v1;
	v14 =	vbroadcast v14, $0x0;
	v10 =	vadd.s32 v7, v10;
	v23 =	vld [tilespmem:s8+$0xFFFFFFE0];
	[tilespmem:v22+s19+$0x0] =	vst.idx.msk $0xffff, v27  }
0x155: {  	v19 =	vshll.u32 v19, v1;
	v18 =	vbroadcast v18, $0x0;
	v13 =	vadd.s32 v8, v13;
	v22 =	vld [tilespmem:s8+$0xFFFFFFF0];
	[tilespmem:v16+s19+$0x0] =	vst.idx.msk $0xffff, v28  }
0x156: {  	v17 =	vshll.u32 v17, v1;
	v19 =	vbroadcast v19, $0x0;
	v14 =	vadd.s32 v0, v14;
	v16 =	vld [tilespmem:s8+$0x0];
	[tilespmem:v12+s19+$0x0] =	vst.idx.msk $0xffff, v29  }
0x157: {  	v21 =	vshll.u32 v21, v1;
	v17 =	vbroadcast v17, $0x0;
	v18 =	vadd.s32 v2, v18;
	v12 =	vld [tilespmem:s8+$0x10];
	[tilespmem:v11+s19+$0x0] =	vst.idx.msk $0xffff, v30  }
0x158: {  	s9 =	sadd.s32 @!p0 $0x6, s0;
	v20 =	vshll.u32 v20, v1;
	v21 =	vbroadcast v21, $0x0;
	v19 =	vadd.s32 v3, v19;
	v11 =	vld [tilespmem:s8+$0x20];
	[tilespmem:v24+s19+$0x0] =	vst.idx.msk $0xffff, v25  }
0x159: {  	v15 =	vshll.u32 v15, v1;
	s14 =	smulhi.u32 @!p0 $0x51EB851F, s9;
	v20 =	vbroadcast v20, $0x0;
	v17 =	vadd.s32 v4, v17;
	[tilespmem:v10+s19+$0x0] =	vst.idx.msk $0xffff, v23;
	v10 =	vld [tilespmem:s8+$0x30]  }
0x15a: {  	v9 =	vshll.u32 v9, v1;
	s15 =	sor.u32 $0x2, s0;
	v15 =	vbroadcast v15, $0x0;
	v21 =	vadd.s32 v5, v21;
	[tilespmem:v13+s19+$0x0] =	vst.idx.msk $0xffff, v22;
	v13 =	vld [tilespmem:s8+$0x40]  }
0x15b: {  	v9 =	vbroadcast v9, $0x0;
	s16 =	smulhi.u32 $0x51EB851F, s15;
	s17 =	sshrl.u32 @!p0 s14, $0x6;
	[tilespmem:v14+s19+$0x0] =	vst.idx.msk $0xffff, v16;
	v14 =	vld [tilespmem:s8+$0x50];
	v16 =	vadd.s32 v6, v20  }
0x15c: {  	v15 =	vadd.s32 v7, v15;
	s17 =	smul.u32 @!p0 $0xC8, s17;
	[tilespmem:v18+s19+$0x0] =	vst.idx.msk $0xffff, v12;
	v12 =	vld [tilespmem:s8+$0x60]  }
0x15d: {  	v9 =	vadd.s32 v0, v9;
	s16 =	sshrl.u32 s16, $0x6;
	v18 =	vld [tilespmem:s8+$0xFFFFFF80];
	[tilespmem:v19+s19+$0x0] =	vst.idx.msk $0xffff, v11  }
0x15e: {  	s14 =	sshll.u32 @!p0 s14, $0x4;
	s9 =	ssub.s32 @!p0 s9, s17;
	s8 =	smul.u32 $0xC8, s16;
	[tilespmem:v17+s19+$0x0] =	vst.idx.msk $0xffff, v10  }
0x15f: {  	s14 =	sand.u32 @!p0 $0x3FFFFC00, s14;
	s16 =	sshll.u32 @!p0 s9, $0x9;
	s9 =	sshll.u32 @!p0 s9, $0x7;
	[tilespmem:v21+s19+$0x0] =	vst.idx.msk $0xffff, v13  }
0x160: {  	s16 =	sand.u32 @!p0 $0x1F000, s16;
	s9 =	sand.u32 @!p0 $0x300, s9;
	s8 =	ssub.s32 s15, s8;
	[tilespmem:v16+s19+$0x0] =	vst.idx.msk $0xffff, v14  }
0x161: {  	s14 =	sadd.s32 @!p0 s14, s16;
	s15 =	simm.s32 @!p0 $0x1A000;
	s8 =	sshll.u32 s8, $0xF;
	[tilespmem:v15+s19+$0x0] =	vst.idx.msk $0xffff, v12  }
0x162: {  	s9 =	sor.u32 @!p0 s9, s14;
	s14 =	simm.s32 @!p0 $0x80;
	s8 =	sadd.s32 s1, s8;
	[tilespmem:v9+s19+$0x0] =	vst.idx.msk $0xffff, v18  }
0x163: {  	[tilespmem:s15], [sflag:$0x3] =	stream.indirect.gather @!p0 [hbm4b:s5+s14], $0x10, s9, s14, $0xb8;
	[tilespmem:$0x1C100] =	vst v63  }
0x164: {  	s8 =	sadd.s32 s2, s8;
	s9 =	simm.s32 $0x0  }
0x165: {  	[hbm4b:s8+s9] =	stream.linear.scatter [tilespmem:s19], [sflag:$0x5], $0x80, $0x38;
	[tilespmem:$0x1C100] =	vst v63  }
0x166: {  	s17 =	simm.s32 $0x1B088;
	s16 =	sadd.s32 $0x10, s8  }
0x167: {  	[hbm4b:s16+s9] =	stream.linear.scatter [tilespmem:s17], [sflag:$0x5], $0x80, $0x38;
	[tilespmem:$0x1C100] =	vst v63  }
0x168: {  	s16 =	sadd.s32 $0x20, s8;
	s17 =	simm.s32 $0x1B110  }
0x169: {  	[hbm4b:s16+s9] =	stream.linear.scatter [tilespmem:s17], [sflag:$0x5], $0x80, $0x38;
	[tilespmem:$0x1C100] =	vst v63  }
0x16a: {  	s16 =	sadd.s32 $0x30, s8;
	s17 =	simm.s32 $0x1B198  }
0x16b: {  	[hbm4b:s16+s9] =	stream.linear.scatter [tilespmem:s17], [sflag:$0x5], $0x80, $0x38;
	[tilespmem:$0x1C100] =	vst v63  }
0x16c: {  	s16 =	sadd.s32 $0x40, s8;
	s17 =	simm.s32 $0x1B220  }
0x16d: {  	[hbm4b:s16+s9] =	stream.linear.scatter [tilespmem:s17], [sflag:$0x5], $0x80, $0x38;
	[tilespmem:$0x1C100] =	vst v63  }
0x16e: {  	s16 =	sadd.s32 $0x50, s8;
	s17 =	simm.s32 $0x1B2A8  }
0x16f: {  	[hbm4b:s16+s9] =	stream.linear.scatter [tilespmem:s17], [sflag:$0x5], $0x80, $0x38;
	[tilespmem:$0x1C100] =	vst v63  }
0x170: {  	s16 =	sadd.s32 $0x60, s8;
	s17 =	simm.s32 $0x1B330  }
0x171: {  	[hbm4b:s16+s9] =	stream.linear.scatter [tilespmem:s17], [sflag:$0x5], $0x80, $0x38;
	[tilespmem:$0x1C100] =	vst v63  }
0x172: {  	s16 =	sadd.s32 $0x70, s8;
	s17 =	simm.s32 $0x1B3B8  }
0x173: {  	[hbm4b:s16+s9] =	stream.linear.scatter [tilespmem:s17], [sflag:$0x5], $0x80, $0x38;
	[tilespmem:$0x1C100] =	vst v63  }
0x174: {  	s16 =	sadd.s32 $0x4000, s8;
	s17 =	simm.s32 $0x1B440  }
0x175: {  	[hbm4b:s16+s9] =	stream.linear.scatter [tilespmem:s17], [sflag:$0x5], $0x80, $0x38;
	[tilespmem:$0x1C100] =	vst v63  }
0x176: {  	s16 =	sadd.s32 $0x4010, s8;
	s17 =	simm.s32 $0x1B4C8  }
0x177: {  	[hbm4b:s16+s9] =	stream.linear.scatter [tilespmem:s17], [sflag:$0x5], $0x80, $0x38;
	[tilespmem:$0x1C100] =	vst v63  }
0x178: {  	s16 =	sadd.s32 $0x4020, s8;
	s17 =	simm.s32 $0x1B550  }
0x179: {  	[hbm4b:s16+s9] =	stream.linear.scatter [tilespmem:s17], [sflag:$0x5], $0x80, $0x38;
	[tilespmem:$0x1C100] =	vst v63  }
0x17a: {  	s16 =	sadd.s32 $0x4030, s8;
	s17 =	simm.s32 $0x1B5D8  }
0x17b: {  	[hbm4b:s16+s9] =	stream.linear.scatter [tilespmem:s17], [sflag:$0x5], $0x80, $0x38;
	[tilespmem:$0x1C100] =	vst v63  }
0x17c: {  	s16 =	sadd.s32 $0x4040, s8;
	s17 =	simm.s32 $0x1B660  }
0x17d: {  	[hbm4b:s16+s9] =	stream.linear.scatter [tilespmem:s17], [sflag:$0x5], $0x80, $0x38;
	[tilespmem:$0x1C100] =	vst v63  }
0x17e: {  	s15 =	simm.s32 $0x1;
	s16 =	sadd.s32 $0x4050, s8;
	s17 =	simm.s32 $0x1B6E8  }
0x17f: {  	[hbm4b:s16+s9] =	stream.linear.scatter [tilespmem:s17], [sflag:$0x5], $0x80, $0x38;
	[tilespmem:$0x1C100] =	vst v63  }
0x180: {  	s14 =	simm.s32 $0x4;
	s16 =	sadd.s32 $0x4060, s8;
	s17 =	simm.s32 $0x1B770  }
0x181: {  	[hbm4b:s16+s9] =	stream.linear.scatter [tilespmem:s17], [sflag:$0x5], $0x80, $0x38;
	[tilespmem:$0x1C100] =	vst v63  }
0x182: {  	v9 =	vmov s15;
	s15 =	simm.s32 $0x5;
	v12 =	vmov s14;
	s14 =	simm.s32 $0x7;
	v18 =	vmov s9;
	s17 =	simm.s32 $0x3  }
0x183: {  	v13 =	vmov s15;
	v15 =	vmov s14;
	v11 =	vmov s17;
	s17 =	simm.s32 $0x6  }
0x184: {  	s15 =	simm.s32 $0x8;
	v18 =	vshrl.u32 v18, $0x3;
	v9 =	vshrl.u32 v9, $0x3;
	v14 =	vmov s17;
	s17 =	simm.s32 $0x9  }
0x185: {  	v12 =	vshrl.u32 v12, $0x3;
	v16 =	vmov s15;
	v17 =	vmov s17;
	s17 =	simm.s32 $0xB  }
0x186: {  	v13 =	vshrl.u32 v13, $0x3;
	v15 =	vshrl.u32 v15, $0x3;
	v20 =	vmov s17;
	s17 =	simm.s32 $0xD  }
0x187: {  	s15 =	simm.s32 $0xA;
	v9 =	vshll.u32 v9, v1;
	v12 =	vshll.u32 v12, v1;
	s8 =	sadd.s32 $0x4070, s8;
	v22 =	vmov s17;
	s17 =	simm.s32 $0x1B7F8  }
0x188: {  	v19 =	vmov s15;
	v16 =	vshrl.u32 v16, $0x3;
	v9 =	vbroadcast v9, $0x0;
	[hbm4b:s8+s9] =	stream.linear.scatter [tilespmem:s17], [sflag:$0x5], $0x80, $0x38;
	[tilespmem:$0x1C100] =	vst v63  }
0x189: {  	v12 =	vbroadcast v12, $0x0;
	v13 =	vshll.u32 v13, v1;
	v15 =	vshll.u32 v15, v1;
	s9 =	simm.s32 $0xF;
	_ =	swait.ge [sflag:s29], $0x800  }
0x18a: {  	v19 =	vshrl.u32 v19, $0x3;
	v13 =	vbroadcast v13, $0x0;
	v50 =	vmov s9;
	[sflag:s29] =	ssyncset.done $0x0  }
0x18b: {  	s15 =	simm.s32 $0x11;
	v15 =	vbroadcast v15, $0x0;
	v16 =	vshll.u32 v16, v1;
	s16 =	simm.s32 $0x2;
	v24 =	vshrl.u32 v50, $0x3;
	[sflag:s29] =	ssyncadd.s32 $0xFFFFF800  }
0x18c: {  	v59 =	vmov s15;
	v10 =	vmov s16;
	v24 =	vshll.u32 v24, v1;
	_ =	swait.ge [sflag:s30], $0x800  }
0x18d: {  	v9 =	vadd.s32 v2, v9;
	v10 =	vshrl.u32 v10, $0x3;
	v24 =	vbroadcast v24, $0x0;
	[sflag:s30] =	ssyncset.done $0x0  }
0x18e: {  	v12 =	vadd.s32 v5, v12;
	v11 =	vshrl.u32 v11, $0x3;
	v10 =	vshll.u32 v10, v1;
	s8 =	simm.s32 $0x1A880;
	[sflag:s30] =	ssyncadd.s32 $0xFFFFF800  }
0x18f: {  	v11 =	vshll.u32 v11, v1;
	v10 =	vbroadcast v10, $0x0;
	v24 =	vadd.s32 v8, v24;
	v51 =	vld [tilespmem:s8+$0x70]  }
0x190: {  	s15 =	simm.s32 $0x14;
	v16 =	vbroadcast v16, $0x0;
	v19 =	vshll.u32 v19, v1;
	v11 =	vbroadcast v11, $0x0;
	v52 =	vld [tilespmem:s8+$0xFFFFFF90]  }
0x191: {  	v63 =	vmov s15;
	v14 =	vshrl.u32 v14, $0x3;
	v10 =	vadd.s32 v3, v10;
	v53 =	vld [tilespmem:s8+$0xFFFFFFA0]  }
0x192: {  	v13 =	vadd.s32 v6, v13;
	v14 =	vshll.u32 v14, v1;
	v11 =	vadd.s32 v4, v11;
	v54 =	vld [tilespmem:s8+$0xFFFFFFB0]  }
0x193: {  	v15 =	vadd.s32 v8, v15;
	v19 =	vbroadcast v19, $0x0;
	s16 =	simm.s32 $0xC;
	v14 =	vbroadcast v14, $0x0;
	v55 =	vld [tilespmem:s8+$0xFFFFFFC0]  }
0x194: {  	v16 =	vadd.s32 v0, v16;
	v21 =	vmov s16;
	v17 =	vshrl.u32 v17, $0x3;
	v56 =	vld [tilespmem:s8+$0xFFFFFFD0];
	[tilespmem:v24+s13+$0x0] =	vst.idx.msk $0xffff, v51  }
0x195: {  	s16 =	simm.s32 $0xE;
	v20 =	vshrl.u32 v20, $0x3;
	v17 =	vshll.u32 v17, v1;
	v14 =	vadd.s32 v7, v14;
	[tilespmem:v9+s13+$0x0] =	vst.idx.msk $0xffff, v52;
	v9 =	vld [tilespmem:s8+$0xFFFFFFE0]  }
0x196: {  	v23 =	vmov s16;
	v17 =	vbroadcast v17, $0x0;
	v20 =	vshll.u32 v20, v1;
	[tilespmem:v10+s13+$0x0] =	vst.idx.msk $0xffff, v53;
	v10 =	vld [tilespmem:s8+$0xFFFFFFF0]  }
0x197: {  	v21 =	vshrl.u32 v21, $0x3;
	v23 =	vshrl.u32 v23, $0x3;
	v20 =	vbroadcast v20, $0x0;
	[tilespmem:v11+s13+$0x0] =	vst.idx.msk $0xffff, v54;
	v11 =	vld [tilespmem:s8+$0x0]  }
0x198: {  	v21 =	vshll.u32 v21, v1;
	v22 =	vshrl.u32 v22, $0x3;
	v17 =	vadd.s32 v2, v17;
	[tilespmem:v12+s13+$0x0] =	vst.idx.msk $0xffff, v55;
	v12 =	vld [tilespmem:s8+$0x10]  }
0x199: {  	v21 =	vbroadcast v21, $0x0;
	v22 =	vshll.u32 v22, v1;
	v20 =	vadd.s32 v4, v20;
	v57 =	vld [tilespmem:s8+$0x30];
	[tilespmem:v13+s13+$0x0] =	vst.idx.msk $0xffff, v56  }
0x19a: {  	v19 =	vadd.s32 v3, v19;
	v23 =	vshll.u32 v23, v1;
	v13 =	vld [tilespmem:s8+$0x20];
	[tilespmem:v14+s13+$0x0] =	vst.idx.msk $0xffff, v9;
	v9 =	vbroadcast v22, $0x0  }
0x19b: {  	s17 =	simm.s32 $0x13;
	v14 =	vshll.u32 v18, v1;
	v22 =	vld [tilespmem:s8+$0x40];
	v18 =	vbroadcast v23, $0x0;
	[tilespmem:v15+s13+$0x0] =	vst.idx.msk $0xffff, v10;
	v10 =	vadd.s32 v5, v21  }
0x19c: {  	s16 =	simm.s32 $0x12;
	v62 =	vmov s17;
	s17 =	simm.s32 $0x16;
	v23 =	vld [tilespmem:s8+$0x50];
	[tilespmem:v16+s13+$0x0] =	vst.idx.msk $0xffff, v11;
	v14 =	vbroadcast v14, $0x0;
	v11 =	vadd.s32 v6, v9  }
0x19d: {  	s14 =	simm.s32 $0x10;
	v32 =	vmov s17;
	v16 =	vld [tilespmem:s8+$0x60];
	[tilespmem:v17+s13+$0x0] =	vst.idx.msk $0xffff, v12;
	v12 =	vmov s16;
	s16 =	simm.s32 $0x15;
	v58 =	vadd.s32 v7, v18  }
0x19e: {  	s15 =	simm.s32 $0x17;
	s17 =	simm.s32 $0x19;
	v60 =	vld [tilespmem:s8+$0xFFFFFF80];
	[tilespmem:v20+s13+$0x0] =	vst.idx.msk $0xffff, v57;
	v15 =	vmov s14;
	v31 =	vmov s16;
	s16 =	simm.s32 $0x18;
	v61 =	vadd.s32 v0, v14  }
0x19f: {  	[tilespmem:v19+s13+$0x0] =	vst.idx.msk $0xffff, v13;
	v13 =	vmov s15;
	s15 =	simm.s32 $0x1A;
	v18 =	vmov s17;
	s17 =	simm.s32 $0x1C;
	v14 =	vmov s16;
	s16 =	simm.s32 $0x1B  }
0x1a0: {  	v19 =	vmov s15;
	v21 =	vmov s17;
	s17 =	simm.s32 $0x1E;
	v17 =	vmov s16;
	s16 =	simm.s32 $0x1D;
	[tilespmem:v10+s13+$0x0] =	vst.idx.msk $0xffff, v22  }
0x1a1: {  	v9 =	vshrl.u32 v15, $0x3;
	v15 =	vmov s17;
	v20 =	vmov s16;
	[tilespmem:v11+s13+$0x0] =	vst.idx.msk $0xffff, v23  }
0x1a2: {  	v22 =	vshrl.u32 v12, $0x3;
	v12 =	vshrl.u32 v63, $0x3;
	v10 =	vshrl.u32 v32, $0x3;
	[tilespmem:v58+s13+$0x0] =	vst.idx.msk $0xffff, v16  }
0x1a3: {  	s9 =	simm.s32 $0x20;
	s14 =	simm.s32 $0x1F;
	v23 =	vshrl.u32 v59, $0x3;
	v16 =	vshrl.u32 v62, $0x3;
	v11 =	vshrl.u32 v31, $0x3;
	[tilespmem:v61+s13+$0x0] =	vst.idx.msk $0xffff, v60  }
.LBB2_9:
0x1a4: {  	p1 =	slt.u32 s9, $0x70;
	v13 =	vshrl.u32 v13, $0x3;
	v14 =	vshrl.u32 v14, $0x3;
	v24 =	vmov s14  }
0x1a5: {  	v18 =	vshrl.u32 v18, $0x3;
	v19 =	vshrl.u32 v19, $0x3;
	v24 =	vshrl.u32 v24, $0x3  }
0x1a6: {  	v17 =	vshrl.u32 v17, $0x3;
	v21 =	vshrl.u32 v21, $0x3;
	v24 =	vshll.u32 v24, v1  }
0x1a7: {  	v23 =	vshll.u32 v23, v1;
	v20 =	vshrl.u32 v20, $0x3;
	v24 =	vbroadcast v24, $0x0  }
0x1a8: {  	v22 =	vshll.u32 v22, v1;
	v15 =	vshrl.u32 v15, $0x3;
	s8 =	sadd.s32 $0x100, s8;
	v23 =	vbroadcast v23, $0x0  }
0x1a9: {  	v16 =	vshll.u32 v16, v1;
	v22 =	vbroadcast v22, $0x0;
	v25 =	vld [tilespmem:s8+$0x70];
	v24 =	vadd.s32 v8, v24  }
0x1aa: {  	v12 =	vshll.u32 v12, v1;
	v16 =	vbroadcast v16, $0x0;
	v23 =	vadd.s32 v2, v23;
	v26 =	vld [tilespmem:s8+$0xFFFFFF90]  }
0x1ab: {  	v11 =	vshll.u32 v11, v1;
	v12 =	vbroadcast v12, $0x0;
	v22 =	vadd.s32 v3, v22;
	v27 =	vld [tilespmem:s8+$0xFFFFFFA0]  }
0x1ac: {  	v10 =	vshll.u32 v10, v1;
	v11 =	vbroadcast v11, $0x0;
	v16 =	vadd.s32 v4, v16;
	v28 =	vld [tilespmem:s8+$0xFFFFFFB0]  }
0x1ad: {  	v10 =	vbroadcast v10, $0x0;
	v13 =	vshll.u32 v13, v1;
	v12 =	vadd.s32 v5, v12;
	v29 =	vld [tilespmem:s8+$0xFFFFFFC0]  }
0x1ae: {  	v14 =	vshll.u32 v14, v1;
	v13 =	vbroadcast v13, $0x0;
	v11 =	vadd.s32 v6, v11;
	v30 =	vld [tilespmem:s8+$0xFFFFFFD0];
	[tilespmem:v24+s13+$0x0] =	vst.idx.msk $0xffff, v25  }
0x1af: {  	v18 =	vshll.u32 v18, v1;
	v14 =	vbroadcast v14, $0x0;
	v10 =	vadd.s32 v7, v10;
	[tilespmem:v23+s13+$0x0] =	vst.idx.msk $0xffff, v26;
	v23 =	vld [tilespmem:s8+$0xFFFFFFE0]  }
0x1b0: {  	v19 =	vshll.u32 v19, v1;
	v18 =	vbroadcast v18, $0x0;
	v13 =	vadd.s32 v8, v13;
	[tilespmem:v22+s13+$0x0] =	vst.idx.msk $0xffff, v27;
	v22 =	vld [tilespmem:s8+$0xFFFFFFF0]  }
0x1b1: {  	v17 =	vshll.u32 v17, v1;
	v19 =	vbroadcast v19, $0x0;
	v14 =	vadd.s32 v0, v14;
	[tilespmem:v16+s13+$0x0] =	vst.idx.msk $0xffff, v28;
	v16 =	vld [tilespmem:s8+$0x0]  }
0x1b2: {  	v21 =	vshll.u32 v21, v1;
	v17 =	vbroadcast v17, $0x0;
	v18 =	vadd.s32 v2, v18;
	[tilespmem:v12+s13+$0x0] =	vst.idx.msk $0xffff, v29;
	v12 =	vld [tilespmem:s8+$0x10]  }
0x1b3: {  	v20 =	vshll.u32 v20, v1;
	v21 =	vbroadcast v21, $0x0;
	v19 =	vadd.s32 v3, v19;
	[tilespmem:v11+s13+$0x0] =	vst.idx.msk $0xffff, v30;
	v11 =	vld [tilespmem:s8+$0x20]  }
0x1b4: {  	v15 =	vshll.u32 v15, v1;
	v20 =	vbroadcast v20, $0x0;
	v17 =	vadd.s32 v4, v17;
	[tilespmem:v10+s13+$0x0] =	vst.idx.msk $0xffff, v23;
	v10 =	vld [tilespmem:s8+$0x30]  }
0x1b5: {  	v9 =	vshll.u32 v9, v1;
	v21 =	vadd.s32 v5, v21;
	[tilespmem:v13+s13+$0x0] =	vst.idx.msk $0xffff, v22;
	v22 =	vld [tilespmem:s8+$0x40];
	v13 =	vbroadcast v15, $0x0  }
0x1b6: {  	s14 =	sadd.s32 $0x1, s9;
	v20 =	vadd.s32 v6, v20;
	v23 =	vbroadcast v9, $0x0;
	v15 =	vmov s9;
	[tilespmem:v14+s13+$0x0] =	vst.idx.msk $0xffff, v16;
	v16 =	vld [tilespmem:s8+$0x50]  }
0x1b7: {  	s15 =	sadd.s32 $0x2, s9;
	s16 =	sadd.s32 $0x5, s9;
	v25 =	vmov s14;
	v9 =	vshrl.u32 v15, $0x3;
	[tilespmem:v18+s13+$0x0] =	vst.idx.msk $0xffff, v12;
	v12 =	vld [tilespmem:s8+$0x60];
	v24 =	vadd.s32 v7, v13  }
0x1b8: {  	s14 =	sadd.s32 $0x3, s9;
	v26 =	vmov s15;
	s15 =	sadd.s32 $0x4, s9;
	v30 =	vmov s16;
	s16 =	sadd.s32 $0x8, s9;
	v28 =	vadd.s32 v0, v23;
	v27 =	vld [tilespmem:s8+$0xFFFFFF80];
	[tilespmem:v19+s13+$0x0] =	vst.idx.msk $0xffff, v11  }
0x1b9: {  	v29 =	vmov s15;
	s15 =	sadd.s32 $0x7, s9;
	v14 =	vmov s16;
	s16 =	sadd.s32 $0xB, s9;
	v11 =	vmov s14;
	s14 =	sadd.s32 $0x6, s9;
	[tilespmem:v17+s13+$0x0] =	vst.idx.msk $0xffff, v10  }
.Ltmp3:
0x1ba: {  	v13 =	vmov s15;
	s15 =	sadd.s32 $0xA, s9;
	v10 =	vmov s14;
	s14 =	sadd.s32 $0x9, s9;
	[tilespmem:v21+s13+$0x0] =	vst.idx.msk $0xffff, v22;
	(pc) =	sbr.rel @p1 .LBB2_9-.Ltmp3, $4  }
0x1bb: {  	v19 =	vmov s15;
	s15 =	sadd.s32 $0xD, s9;
	v17 =	vmov s16;
	s16 =	sadd.s32 $0xE, s9;
	v18 =	vmov s14;
	s14 =	sadd.s32 $0xC, s9;
	[tilespmem:v20+s13+$0x0] =	vst.idx.msk $0xffff, v16  }
0x1bc: {  	v15 =	vmov s16;
	v21 =	vmov s14;
	v20 =	vmov s15;
	[tilespmem:v24+s13+$0x0] =	vst.idx.msk $0xffff, v12  }
0x1bd: {  	v23 =	vshrl.u32 v25, $0x3;
	v22 =	vshrl.u32 v26, $0x3;
	v16 =	vshrl.u32 v11, $0x3;
	[tilespmem:v28+s13+$0x0] =	vst.idx.msk $0xffff, v27  }
0x1be: {  	v10 =	vshrl.u32 v10, $0x3;
	v11 =	vshrl.u32 v30, $0x3;
	s14 =	sadd.s32 $0xF, s9;
	s9 =	sadd.s32 $0x10, s9;
	v12 =	vshrl.u32 v29, $0x3  }
0x1bf: {  	v13 =	vshrl.u32 v13, $0x3;
	v14 =	vshrl.u32 v14, $0x3;
	v24 =	vmov s14  }
0x1c0: {  	v18 =	vshrl.u32 v18, $0x3;
	v19 =	vshrl.u32 v19, $0x3;
	v17 =	vshrl.u32 v17, $0x3  }
0x1c1: {  	v21 =	vshrl.u32 v21, $0x3;
	v23 =	vshll.u32 v23, v1;
	v20 =	vshrl.u32 v20, $0x3  }
0x1c2: {  	v22 =	vshll.u32 v22, v1;
	v15 =	vshrl.u32 v15, $0x3;
	v23 =	vbroadcast v23, $0x0  }
0x1c3: {  	s8 =	sadd.s32 $0x100, s8;
	v16 =	vshll.u32 v16, v1;
	v12 =	vshll.u32 v12, v1;
	v22 =	vbroadcast v22, $0x0  }
0x1c4: {  	v11 =	vshll.u32 v11, v1;
	v26 =	vld [tilespmem:s8+$0xFFFFFF90];
	v16 =	vbroadcast v16, $0x0;
	v23 =	vadd.s32 v2, v23  }
0x1c5: {  	v10 =	vshll.u32 v10, v1;
	v27 =	vld [tilespmem:s8+$0xFFFFFFA0];
	v12 =	vbroadcast v12, $0x0;
	v22 =	vadd.s32 v3, v22  }
0x1c6: {  	v9 =	vshll.u32 v9, v1;
	v28 =	vld [tilespmem:s8+$0xFFFFFFB0];
	v11 =	vbroadcast v11, $0x0;
	v16 =	vadd.s32 v4, v16  }
0x1c7: {  	v24 =	vshrl.u32 v24, $0x3;
	v29 =	vld [tilespmem:s8+$0xFFFFFFC0];
	v10 =	vbroadcast v10, $0x0;
	v12 =	vadd.s32 v5, v12  }
0x1c8: {  	v13 =	vshll.u32 v13, v1;
	v30 =	vld [tilespmem:s8+$0xFFFFFFD0];
	v9 =	vbroadcast v9, $0x0;
	v11 =	vadd.s32 v6, v11  }
0x1c9: {  	v14 =	vshll.u32 v14, v1;
	v55 =	vld [tilespmem:s8+$0xFFFFFFE0];
	v13 =	vbroadcast v13, $0x0;
	v10 =	vadd.s32 v7, v10;
	[tilespmem:v23+s13+$0x0] =	vst.idx.msk $0xffff, v26  }
0x1ca: {  	v18 =	vshll.u32 v18, v1;
	v63 =	vld [tilespmem:s8+$0xFFFFFF80];
	v14 =	vbroadcast v14, $0x0;
	v9 =	vadd.s32 v0, v9;
	[tilespmem:v22+s13+$0x0] =	vst.idx.msk $0xffff, v27  }
0x1cb: {  	v56 =	vld [tilespmem:s8+$0xFFFFFFF0];
	v21 =	vshll.u32 v21, v1;
	v18 =	vbroadcast v18, $0x0;
	v13 =	vadd.s32 v8, v13;
	[tilespmem:v16+s13+$0x0] =	vst.idx.msk $0xffff, v28  }
0x1cc: {  	v57 =	vld [tilespmem:s8+$0x0];
	v20 =	vshll.u32 v20, v1;
	v21 =	vbroadcast v21, $0x0;
	v14 =	vadd.s32 v0, v14;
	[tilespmem:v12+s13+$0x0] =	vst.idx.msk $0xffff, v29  }
0x1cd: {  	v58 =	vld [tilespmem:s8+$0x10];
	v15 =	vshll.u32 v15, v1;
	v20 =	vbroadcast v20, $0x0;
	v18 =	vadd.s32 v2, v18;
	[tilespmem:v11+s13+$0x0] =	vst.idx.msk $0xffff, v30  }
0x1ce: {  	s9 =	sadd.s32 @!p0 $0x7, s0;
	v59 =	vld [tilespmem:s8+$0x40];
	v24 =	vshll.u32 v24, v1;
	v15 =	vbroadcast v15, $0x0;
	v21 =	vadd.s32 v5, v21;
	[tilespmem:v10+s13+$0x0] =	vst.idx.msk $0xffff, v55  }
0x1cf: {  	v19 =	vshll.u32 v19, v1;
	s14 =	smulhi.u32 @!p0 $0x51EB851F, s9;
	v60 =	vld [tilespmem:s8+$0x50];
	v24 =	vbroadcast v24, $0x0;
	v61 =	vadd.s32 v6, v20;
	[tilespmem:v9+s13+$0x0] =	vst.idx.msk $0xffff, v63  }
0x1d0: {  	s0 =	sor.u32 $0x3, s0;
	v17 =	vshll.u32 v17, v1;
	v62 =	vld [tilespmem:s8+$0x60];
	v19 =	vbroadcast v19, $0x0;
	v15 =	vadd.s32 v7, v15;
	[tilespmem:v13+s13+$0x0] =	vst.idx.msk $0xffff, v56  }
0x1d1: {  	v25 =	vld [tilespmem:s8+$0x70];
	s15 =	smulhi.u32 $0x51EB851F, s0;
	v17 =	vbroadcast v17, $0x0;
	s16 =	sshrl.u32 @!p0 s14, $0x6;
	v24 =	vadd.s32 v8, v24;
	[tilespmem:v14+s13+$0x0] =	vst.idx.msk $0xffff, v57  }
0x1d2: {  	v19 =	vadd.s32 v3, v19;
	s16 =	smul.u32 @!p0 $0xC8, s16;
	v11 =	vld [tilespmem:s8+$0x20];
	[tilespmem:v18+s13+$0x0] =	vst.idx.msk $0xffff, v58  }
0x1d3: {  	s17 =	sshrl.u32 s15, $0x6;
	v17 =	vadd.s32 v4, v17;
	v10 =	vld [tilespmem:s8+$0x30];
	[tilespmem:v21+s13+$0x0] =	vst.idx.msk $0xffff, v59  }
0x1d4: {  	s14 =	sshll.u32 @!p0 s14, $0x4;
	s9 =	ssub.s32 @!p0 s9, s16;
	s8 =	smul.u32 $0xC8, s17;
	[tilespmem:v61+s13+$0x0] =	vst.idx.msk $0xffff, v60  }
0x1d5: {  	s14 =	sand.u32 @!p0 $0x3FFFFC00, s14;
	s15 =	sshll.u32 @!p0 s9, $0x9;
	s9 =	sshll.u32 @!p0 s9, $0x7;
	[tilespmem:v15+s13+$0x0] =	vst.idx.msk $0xffff, v62  }
0x1d6: {  	s15 =	sand.u32 @!p0 $0x1F000, s15;
	[tilespmem:v24+s13+$0x0] =	vst.idx.msk $0xffff, v25;
	s0 =	ssub.s32 s0, s8;
	s8 =	sand.u32 @!p0 $0x380, s9  }
0x1d7: {  	s9 =	sadd.s32 @!p0 s14, s15;
	s14 =	simm.s32 @!p0 $0x1A800;
	s0 =	sshll.u32 s0, $0xF;
	[tilespmem:v19+s13+$0x0] =	vst.idx.msk $0xffff, v11  }
0x1d8: {  	s8 =	sor.u32 @!p0 s8, s9;
	s9 =	simm.s32 @!p0 $0x80;
	s0 =	sadd.s32 s1, s0;
	[tilespmem:v17+s13+$0x0] =	vst.idx.msk $0xffff, v10  }
0x1d9: {  	[tilespmem:s14], [sflag:$0x4] =	stream.indirect.gather @!p0 [hbm4b:s5+s9], $0x10, s8, s9, $0xb8;
	[tilespmem:$0x1C100] =	vst v63  }
0x1da: {  	s0 =	sadd.s32 s2, s0  }
0x1db: {  	[hbm4b:s0+s3] =	stream.linear.scatter [tilespmem:s13], [sflag:$0x6], $0x80, $0x38;
	[tilespmem:$0x1C100] =	vst v63  }
0x1dc: {  	s2 =	sadd.s32 $0x10, s0;
	s9 =	simm.s32 $0x1B908  }
0x1dd: {  	[hbm4b:s2+s3] =	stream.linear.scatter [tilespmem:s9], [sflag:$0x6], $0x80, $0x38;
	[tilespmem:$0x1C100] =	vst v63  }
0x1de: {  	s15 =	simm.s32 $0x1B990;
	s14 =	sadd.s32 $0x20, s0  }
0x1df: {  	[hbm4b:s14+s3] =	stream.linear.scatter [tilespmem:s15], [sflag:$0x6], $0x80, $0x38;
	[tilespmem:$0x1C100] =	vst v63  }
0x1e0: {  	s17 =	simm.s32 $0x1BA18;
	s16 =	sadd.s32 $0x30, s0  }
0x1e1: {  	[hbm4b:s16+s3] =	stream.linear.scatter [tilespmem:s17], [sflag:$0x6], $0x80, $0x38;
	[tilespmem:$0x1C100] =	vst v63  }
0x1e2: {  	s8 =	sadd.s32 $0x40, s0;
	s9 =	simm.s32 $0x1BAA0  }
0x1e3: {  	[hbm4b:s8+s3] =	stream.linear.scatter [tilespmem:s9], [sflag:$0x6], $0x80, $0x38;
	[tilespmem:$0x1C100] =	vst v63  }
0x1e4: {  	s14 =	sadd.s32 $0x50, s0  }
0x1e5: {  	[hbm4b:s14+s3] =	stream.linear.scatter [tilespmem:s6], [sflag:$0x6], $0x80, $0x38;
	[tilespmem:$0x1C100] =	vst v63  }
0x1e6: {  	s15 =	sadd.s32 $0x60, s0  }
0x1e7: {  	[hbm4b:s15+s3] =	stream.linear.scatter [tilespmem:s7], [sflag:$0x6], $0x80, $0x38;
	[tilespmem:$0x1C100] =	vst v63  }
0x1e8: {  	s16 =	sadd.s32 $0x70, s0  }
0x1e9: {  	[hbm4b:s16+s3] =	stream.linear.scatter [tilespmem:s10], [sflag:$0x6], $0x80, $0x38;
	[tilespmem:$0x1C100] =	vst v63  }
0x1ea: {  	s17 =	sadd.s32 $0x4000, s0  }
0x1eb: {  	[hbm4b:s17+s3] =	stream.linear.scatter [tilespmem:s11], [sflag:$0x6], $0x80, $0x38;
	[tilespmem:$0x1C100] =	vst v63  }
0x1ec: {  	s8 =	sadd.s32 $0x4010, s0  }
0x1ed: {  	[hbm4b:s8+s3] =	stream.linear.scatter [tilespmem:s4], [sflag:$0x6], $0x80, $0x38;
	[tilespmem:$0x1C100] =	vst v63  }
0x1ee: {  	s9 =	sadd.s32 $0x4020, s0  }
0x1ef: {  	[hbm4b:s9+s3] =	stream.linear.scatter [tilespmem:s20], [sflag:$0x6], $0x80, $0x38;
	[tilespmem:$0x1C100] =	vst v63  }
0x1f0: {  	s14 =	sadd.s32 $0x4030, s0  }
0x1f1: {  	[hbm4b:s14+s3] =	stream.linear.scatter [tilespmem:s21], [sflag:$0x6], $0x80, $0x38;
	[tilespmem:$0x1C100] =	vst v63  }
0x1f2: {  	s31 =	sadd.s32 $0x1, s31;
	s15 =	sadd.s32 $0x4040, s0  }
0x1f3: {  	[hbm4b:s15+s3] =	stream.linear.scatter [tilespmem:s22], [sflag:$0x6], $0x80, $0x38;
	[tilespmem:$0x1C100] =	vst v63  }
0x1f4: {  	p0 =	sne.s32 s31, $0xC8;
	s16 =	sadd.s32 $0x4050, s0  }
0x1f5: {  	[hbm4b:s16+s3] =	stream.linear.scatter [tilespmem:s23], [sflag:$0x6], $0x80, $0x38;
	[tilespmem:$0x1C100] =	vst v63  }
.Ltmp4:
0x1f6: {  	_ = 	snop;
	(pc) =	sbr.rel @p0 .LBB2_2-.Ltmp4, $4  }
0x1f7: {  	s17 =	sadd.s32 $0x4060, s0  }
0x1f8: {  	[hbm4b:s17+s3] =	stream.linear.scatter [tilespmem:s24], [sflag:$0x6], $0x80, $0x38;
	[tilespmem:$0x1C100] =	vst v63  }
0x1f9: {  	s0 =	sadd.s32 $0x4070, s0  }
0x1fa: {  	[hbm4b:s0+s3] =	stream.linear.scatter [tilespmem:s25], [sflag:$0x6], $0x80, $0x38;
	[tilespmem:$0x1C100] =	vst v63  }
0x1fb: {  	_ =	swait.ge [sflag:s28], $0x800  }
0x1fc: {  	[sflag:s28] =	ssyncset.done $0x0  }
0x1fd: {  	[sflag:s28] =	ssyncadd.s32 $0xFFFFF800  }
0x1fe: {  	_ =	swait.ge [sflag:s30], $0x800  }
0x1ff: {  	s2 =	rddreg [dreg:$0x7]  }
0x200: {  	s0 =	rddreg [dreg:$0x6];
	s2 =	sadd.s32 $0x1, s2  }
0x201: {  	p0 =	sne.s32 s2, s0  }
.Ltmp5:
0x202: {  	_ = 	snop;
	(pc) =	sbr.rel @p0 .LBB2_1-.Ltmp5, $3  }
0x203: {  	_ =	sdelay $0x1  }
0x204: {  	[sflag:s30] =	ssyncset.done $0x0  }
0x205: {  	[sflag:s30] =	ssyncadd.s32 $0xFFFFF800  }
0x206: {  	_ =	sfence.sel $0x180000  }
0x207: {  	[bflag:$0x0] =	sbarrier.arrive $0xFFFF  }
0x208: {  	_ =	strace $0x90000047  }
0x209: {  	s0 =	stileid.u32;
	[bflag:$0x2] =	sbarrier.arrive $0xFFFF  }
0x20a: {  	p0 =	sne.s32 s0, $0x0;
	s0 =	rddreg [dreg:$0x3]  }
0x20b: {  	s0 =	sadd.s32 @!p0 $0x100000, s0  }
0x20c: {  	[sflag:s0] =	ssyncadd.tile.s32 @!p0 $0x1;
	_ =	shalt  }
.Lfunc_end2:
_tile_overlayer_lowered:
.L_overlay_start_2:
0x20d: {  	(tag) =	ssettag $0x2  }
0x20e: {  	s0 =	rddreg [dreg:$0x0];
	s2 =	stileid.u32  }
0x20f: {  	s1 =	rddreg [dreg:$0x1];
	p0 =	sne.s32 s2, $0x0  }
0x210: {  	s3 =	rddreg [dreg:$0x2];
	[bflag:$0x3] =	sbarrier.arrive $0xFFFF;
	s2 =	simm.s32 @!p0 $0x1C07  }
0x211: {  	[timem:s3], [sflag:s2] =	dma.local @!p0 [hbm:s0], s1  }
0x212: {  	s0 =	simm.s32 @!p0 $0x7  }
0x213: {  	_ =	swait.ge @!p0 [sflag:s0], s1  }
0x214: {  	s1 =	ssub.s32 @!p0 $0x0, s1;
	[sflag:s0] =	ssyncset.done @!p0 $0x0  }
0x215: {  	[sflag:s0] =	ssyncadd.s32 @!p0 s1  }
0x216: {  	[bflag:$0x3] =	sbarrier.arrive $0xFFFF  }
0x217: {  	_ =	shalt  }

</sc_bundles>
